<compile_context>
chip_gen: v7x
topology: tpu7x:2x2x1
jax: 0.10.2.dev20260603
libtpu: 0.0.44.dev20260713+nightly
codegen_flags: <defaults>
</compile_context>

<pallas_src>
import functools

import jax
import jax.numpy as jnp
from jax import lax
from jax.experimental import pallas as pl
from jax.experimental.pallas import tpu as pltpu
from jax.experimental.pallas import tpu_sc as plsc

_B, _L, _D, _K = 16, 2048, 768, 4
_BK = _B * _K
_ROWS = _BK * _L
_NC, _NS = 2, 16
_NW = _NC * _NS
_PER_W = _ROWS // _NW
_CHUNK = 32
_NBUF = 4
_NCHUNK = _PER_W // _CHUNK
_LBLK = 128
_NLBLK = _L // _LBLK


def _neg_indices():
    key = jax.random.key(42)
    raw = jax.random.randint(key, (_B, _K), 0, _B - 1)
    row = jnp.arange(_B)[:, None]
    return raw + (raw >= row).astype(raw.dtype)


def _sc_gather_body(x2d, mask_hbm, negb_hbm, out_hbm,
                    mask_v, neg_v, idx_v, buf, gsem, wsem):
    wid = lax.axis_index("s") * _NC + lax.axis_index("c")
    i = wid // 2
    base = wid * _PER_W

    pltpu.sync_copy(mask_hbm.at[i], mask_v)
    pltpu.sync_copy(negb_hbm.at[pl.ds(2 * wid, 2)], neg_v)

    i_vec = jnp.full((16,), i, jnp.int32)
    iota = lax.iota(jnp.int32, 16)

    for r in range(2):
        c_vec = neg_v[r]

        def idx_body(t, _, c_vec=c_vec, off=r * _L):
            m = mask_v[pl.ds(t * 16, 16)]
            src = jnp.where(m == 1, i_vec, c_vec)
            idx_v[pl.ds(off + t * 16, 16)] = src * _L + t * 16 + iota
            return _

        lax.fori_loop(0, _L // 16, idx_body, None)


    def g_start(c, s):
        pltpu.async_copy(
            x2d.at[idx_v.at[pl.ds(c * _CHUNK, _CHUNK)]], buf.at[s], gsem.at[s])

    def g_wait(c, s):
        pltpu.make_async_copy(
            x2d.at[idx_v.at[pl.ds(c * _CHUNK, _CHUNK)]], buf.at[s],
            gsem.at[s]).wait()

    def w_start(c, s):
        pltpu.async_copy(
            buf.at[s], out_hbm.at[pl.ds(base + c * _CHUNK, _CHUNK)],
            wsem.at[s])

    def w_wait(c, s):
        pltpu.make_async_copy(
            buf.at[s], out_hbm.at[pl.ds(base + c * _CHUNK, _CHUNK)],
            wsem.at[s]).wait()

    def ring_step(c, s, *, skip_free, skip_retire):
        if not skip_free:
            w_wait(c - _NBUF, s)
        g_start(c, s)
        if not skip_retire:
            s2 = (s - 2) % _NBUF
            g_wait(c - 2, s2)
            w_start(c - 2, s2)

    for c in range(_NBUF):
        ring_step(c, c, skip_free=True, skip_retire=c < 2)

    def ring_body(t, _):
        for s in range(_NBUF):
            c = t * _NBUF + s
            ring_step(c, s, skip_free=False, skip_retire=False)
        return _

    lax.fori_loop(1, _NCHUNK // _NBUF, ring_body, None)
    for c in range(_NCHUNK - 2, _NCHUNK):
        s2 = c % _NBUF
        g_wait(c, s2)
        w_start(c, s2)
    for c in range(_NCHUNK - _NBUF, _NCHUNK):
        w_wait(c, c % _NBUF)


def _sc_gather(x2d, mask, negb):
    mesh = plsc.VectorSubcoreMesh(
        core_axis_name="c", subcore_axis_name="s",
        num_cores=_NC, num_subcores=_NS)
    fn = functools.partial(
        pl.kernel,
        out_type=jax.ShapeDtypeStruct((_ROWS, _D), jnp.float32),
        mesh=mesh,
        scratch_types=[
            pltpu.VMEM((_L,), jnp.int32),
            pltpu.VMEM((2, 16), jnp.int32),
            pltpu.VMEM((_PER_W,), jnp.int32),
            pltpu.VMEM((_NBUF, _CHUNK, _D), jnp.float32),
            pltpu.SemaphoreType.DMA((_NBUF,)),
            pltpu.SemaphoreType.DMA((_NBUF,)),
        ],
    )(_sc_gather_body)
    return fn(x2d, mask, negb)


def _head_body(neg_ref, x_ref, mask_ref, qa_ref, w_ref, out_ref, acc_ref):
    g = pl.program_id(0)
    mf = mask_ref[...].astype(jnp.float32)
    m_ik = jnp.repeat(mf, _K, axis=0)
    w0_ik = 1.0 - m_ik
    cvals = neg_ref[0]

    i_of_ik = lax.broadcasted_iota(jnp.int32, (_BK, 1), 0) // _K
    acc = jnp.zeros((_BK, _D), jnp.float32)
    for s in range(_B):
        sel_i = (i_of_ik == s).astype(jnp.float32)
        sel_c = (cvals == s).astype(jnp.float32)[:, None]
        a_s = m_ik * sel_i + w0_ik * sel_c
        acc = acc + jnp.dot(a_s, x_ref[s],
                            preferred_element_type=jnp.float32)

    @pl.when(g == 0)
    def _init():
        acc_ref[...] = acc

    @pl.when(g > 0)
    def _accum():
        acc_ref[...] = acc_ref[...] + acc

    @pl.when(g == _NLBLK - 1)
    def _final():
        qa_rep = jnp.repeat(qa_ref[...], _K, axis=0)
        h = acc_ref[...] * (1.0 / _L) + qa_rep
        out_ref[...] = jnp.dot(h, w_ref[...],
                               preferred_element_type=jnp.float32)


def _head(neg2d, x, mask, qa, w_gm, interpret=False):
    return pl.pallas_call(
        _head_body,
        grid=(_NLBLK,),
        in_specs=[
            pl.BlockSpec((1, _BK), lambda g: (0, 0)),
            pl.BlockSpec((_B, _LBLK, _D), lambda g: (0, g, 0)),
            pl.BlockSpec((_B, _LBLK), lambda g: (0, g)),
            pl.BlockSpec((_B, _D), lambda g: (0, 0)),
            pl.BlockSpec((_D, _D), lambda g: (0, 0)),
        ],
        out_specs=pl.BlockSpec((_BK, _D), lambda g: (0, 0)),
        out_shape=jax.ShapeDtypeStruct((_BK, _D), jnp.float32),
        scratch_shapes=[pltpu.VMEM((_BK, _D), jnp.float32)],
        interpret=interpret,
    )(neg2d, x, mask, qa, w_gm)


def kernel(x, qa, mask, W_gm):
    neg = _neg_indices().astype(jnp.int32)
    negf = neg.reshape(-1)
    negb = jnp.broadcast_to(negf[:, None], (_BK, 16))
    negb = jnp.asarray(negb, jnp.int32)

    x2d = x.reshape(_B * _L, _D)
    xr = _sc_gather(x2d, mask.astype(jnp.int32), negb)
    x_replaced = xr.reshape(_BK, _L, _D)

    recon = _head(negf[None, :], x, mask.astype(jnp.int32), qa, W_gm)
    return (x_replaced, recon)

# --- scband reference (transcript-rebuilt; emitter-appended) ---
"""Pipeline reference for scband-recon-module-28080496181376 (READ-ONLY COPY).

The authoritative reference and input builder live on the scoring server;
editing this copy changes nothing except your own understanding.
"""

import jax, jax.numpy as jnp
import numpy as np

B, L, D, K = 16, 2048, 768, 4


def setup_inputs(seed: int = 0) -> dict:
    key = jax.random.key(seed)
    k1, k2, k3, k4 = jax.random.split(key, 4)
    x = jax.random.normal(k1, (B, L, D), dtype=jnp.float32)
    qa = jax.random.normal(k2, (B, D), dtype=jnp.float32)
    mask = jax.random.randint(k3, (B, L), 0, 2).astype(jnp.int32)
    # surrogate parameters for the external `gm` module (simple linear head)
    W_gm = jax.random.normal(k4, (D, D), dtype=jnp.float32) * 0.02
    return {"x": x, "qa": qa, "mask": mask, "W_gm": W_gm}


def _sample_neg_indices(bs, k):
    # For each row i, sample k indices uniformly from range(bs) \ {i},
    # matching torch's per-row randint over the remaining bs-1 indices.
    key = jax.random.key(42)
    raw = jax.random.randint(key, (bs, k), 0, bs - 1)
    row = jnp.arange(bs)[:, None]
    return raw + (raw >= row).astype(raw.dtype)


def reference(x, qa, mask, W_gm):
    bs, n, d = x.shape
    k = K
    # _sample_negatives: gather k negative rows per example -> [B, k, L, D]
    neg_idx = _sample_neg_indices(bs, k)
    neg_sample = jnp.take(x, neg_idx, axis=0)  # [B, k, L, D]
    # mask.unsqueeze(-1).unsqueeze(1).expand(B, k, L, D)
    mask_exp = mask[:, None, :, None]  # broadcasts over k and D
    x_exp = jnp.broadcast_to(x[:, None, :, :], (bs, k, n, d))
    qa_exp = jnp.broadcast_to(qa[:, None, :], (bs, k, d))
    # torch.where(mask_expanded == 1, x, neg_sample.squeeze(1)) ; squeeze(1) is a no-op for k=4
    x_replaced = jnp.where(mask_exp == 1, x_exp, neg_sample)
    x_replaced = x_replaced.reshape(-1, n, d)  # [B*k, L, D]
    qa_flat = qa_exp.reshape(-1, d)            # [B*k, D]
    # surrogate gm(x_replaced, qa): mean-pool over L, add qa, linear projection
    h = jnp.mean(x_replaced, axis=1) + qa_flat
    recon_time_param = h @ W_gm                # [B*k, D]
    return (x_replaced, recon_time_param)

if __name__ == "__main__":
    import jax
    _d = setup_inputs()
    print(jax.jit(kernel)(*tuple(_d.values())))

</pallas_src>

<mosaic_0001>
#map = affine_map<(d0, d1) -> (0, 0)>
module attributes {stable_mosaic.version = 14 : i64} {
  func.func @_sc_gather_body(%arg0: i32, %arg1: i32, %arg2: memref<32768x768xf32, #tpu.memory_space<hbm>>, %arg3: memref<16x2048xi32, #tpu.memory_space<hbm>>, %arg4: memref<64x16xi32, #tpu.memory_space<hbm>>, %arg5: memref<131072x768xf32, #tpu.memory_space<hbm>>, %arg6: memref<2048xi32, #tpu.memory_space<vmem>>, %arg7: memref<2x16xi32, #tpu.memory_space<vmem>>, %arg8: memref<4096xi32, #tpu.memory_space<vmem>>, %arg9: memref<4x32x768xf32, #tpu.memory_space<vmem>>, %arg10: memref<4x!tpu.dma_semaphore, #tpu.memory_space<semaphore_mem>>, %arg11: memref<4x!tpu.dma_semaphore, #tpu.memory_space<semaphore_mem>>) attributes {dimension_semantics = [#tpu.dimension_semantics<core_parallel>, #tpu.dimension_semantics<subcore_parallel>], iteration_bounds = array<i64: 2, 16>, scalar_prefetch = 0 : i64, scratch_operands = 6 : i64, tpu.core_type = #tpu.core_type<sc_vector_subcore>, window_params = [{transform_indices = #map}, {transform_indices = #map}, {transform_indices = #map}, {transform_indices = #map}]} {
    %mul3A = arith.constant 2 : i32
    %mul3A_0 = arith.muli %arg1, %mul3A : i32
    %add3A = arith.addi %mul3A_0, %arg0 : i32
    %jit3A = arith.constant 2 : i32
    %div3A = arith.divsi %add3A, %jit3A : i32
    %sign3A = arith.constant 0 : i32
    %sign3A_1 = arith.cmpi sgt, %add3A, %sign3A : i32
    %sign3A_2 = arith.extui %sign3A_1 : i1 to i32
    %sign3A_3 = arith.constant 0 : i32
    %sign3A_4 = arith.cmpi slt, %add3A, %sign3A_3 : i32
    %sign3A_5 = arith.extui %sign3A_4 : i1 to i32
    %sign3A_6 = arith.subi %sign3A_2, %sign3A_5 : i32
    %sign3A_7 = arith.constant 0 : i32
    %sign3A_8 = arith.cmpi sgt, %jit3A, %sign3A_7 : i32
    %sign3A_9 = arith.extui %sign3A_8 : i1 to i32
    %sign3A_10 = arith.constant 0 : i32
    %sign3A_11 = arith.cmpi slt, %jit3A, %sign3A_10 : i32
    %sign3A_12 = arith.extui %sign3A_11 : i1 to i32
    %sign3A_13 = arith.subi %sign3A_9, %sign3A_12 : i32
    %ne3A = arith.cmpi ne, %sign3A_6, %sign3A_13 : i32
    %rem3A = arith.remsi %add3A, %jit3A : i32
    %ne3A_14 = arith.constant 0 : i32
    %ne3A_15 = arith.cmpi ne, %rem3A, %ne3A_14 : i32
    %and3A = arith.andi %ne3A, %ne3A_15 : i1
    %sub3A = arith.constant 1 : i32
    %sub3A_16 = arith.subi %div3A, %sub3A : i32
    %select_n3A = arith.select %and3A, %sub3A_16, %div3A : i32
    %mul3A_17 = arith.constant 4096 : i32
    %mul3A_18 = arith.muli %add3A, %mul3A_17 : i32
    "tpu.region"() ({
      %run_scoped3A = tpu.sem_alloc : memref<!tpu.dma_semaphore, #tpu.memory_space<semaphore_mem>>
      %dma_start3A_290 = arith.constant 0 : i32
      %dma_start3A_291 = tpu.memref_slice %arg3[%select_n3A, %dma_start3A_290] : memref<16x2048xi32, #tpu.memory_space<hbm>> -> memref<1x2048xi32, #tpu.memory_space<hbm>>
      %dma_start3A_292 = tpu.memref_squeeze %dma_start3A_291 : memref<1x2048xi32, #tpu.memory_space<hbm>> -> memref<2048xi32, #tpu.memory_space<hbm>>
      %dma_start3A_293 = arith.constant 0 : i32
      %dma_start3A_294 = tpu.memref_slice %arg3[%select_n3A, %dma_start3A_293] : memref<16x2048xi32, #tpu.memory_space<hbm>> -> memref<1x2048xi32, #tpu.memory_space<hbm>>
      %dma_start3A_295 = tpu.memref_squeeze %dma_start3A_294 : memref<1x2048xi32, #tpu.memory_space<hbm>> -> memref<2048xi32, #tpu.memory_space<hbm>>
      tpu.enqueue_dma source(%dma_start3A_295 : memref<2048xi32, #tpu.memory_space<hbm>>) target(%arg6 : memref<2048xi32, #tpu.memory_space<vmem>>) target_semaphore(%run_scoped3A : memref<!tpu.dma_semaphore, #tpu.memory_space<semaphore_mem>>)
      %dma_wait3A_296 = arith.constant 0 : i32
      %dma_wait3A_297 = tpu.memref_slice %arg3[%select_n3A, %dma_wait3A_296] : memref<16x2048xi32, #tpu.memory_space<hbm>> -> memref<1x2048xi32, #tpu.memory_space<hbm>>
      %dma_wait3A_298 = tpu.memref_squeeze %dma_wait3A_297 : memref<1x2048xi32, #tpu.memory_space<hbm>> -> memref<2048xi32, #tpu.memory_space<hbm>>
      %dma_wait3A_299 = arith.constant 0 : i32
      %dma_wait3A_300 = tpu.memref_slice %arg3[%select_n3A, %dma_wait3A_299] : memref<16x2048xi32, #tpu.memory_space<hbm>> -> memref<1x2048xi32, #tpu.memory_space<hbm>>
      %dma_wait3A_301 = tpu.memref_squeeze %dma_wait3A_300 : memref<1x2048xi32, #tpu.memory_space<hbm>> -> memref<2048xi32, #tpu.memory_space<hbm>>
      tpu.wait_dma2 semaphore(%run_scoped3A : memref<!tpu.dma_semaphore, #tpu.memory_space<semaphore_mem>>) src(%dma_wait3A_301 : memref<2048xi32, #tpu.memory_space<hbm>>) dst(%arg6 : memref<2048xi32, #tpu.memory_space<vmem>>)
      tpu.yield
    }) : () -> ()
    %mul3A_19 = arith.constant 2 : i32
    %mul3A_20 = arith.muli %mul3A_19, %add3A : i32
    "tpu.region"() ({
      %run_scoped3A = tpu.sem_alloc : memref<!tpu.dma_semaphore, #tpu.memory_space<semaphore_mem>>
      %dma_start3A_290 = arith.constant 0 : i32
      %dma_start3A_291 = tpu.memref_slice %arg4[%mul3A_20, %dma_start3A_290] : memref<64x16xi32, #tpu.memory_space<hbm>> -> memref<2x16xi32, #tpu.memory_space<hbm>>
      %dma_start3A_292 = arith.constant 0 : i32
      %dma_start3A_293 = tpu.memref_slice %arg4[%mul3A_20, %dma_start3A_292] : memref<64x16xi32, #tpu.memory_space<hbm>> -> memref<2x16xi32, #tpu.memory_space<hbm>>
      tpu.enqueue_dma source(%dma_start3A_293 : memref<2x16xi32, #tpu.memory_space<hbm>>) target(%arg7 : memref<2x16xi32, #tpu.memory_space<vmem>>) target_semaphore(%run_scoped3A : memref<!tpu.dma_semaphore, #tpu.memory_space<semaphore_mem>>)
      %dma_wait3A_294 = arith.constant 0 : i32
      %dma_wait3A_295 = tpu.memref_slice %arg4[%mul3A_20, %dma_wait3A_294] : memref<64x16xi32, #tpu.memory_space<hbm>> -> memref<2x16xi32, #tpu.memory_space<hbm>>
      %dma_wait3A_296 = arith.constant 0 : i32
      %dma_wait3A_297 = tpu.memref_slice %arg4[%mul3A_20, %dma_wait3A_296] : memref<64x16xi32, #tpu.memory_space<hbm>> -> memref<2x16xi32, #tpu.memory_space<hbm>>
      tpu.wait_dma2 semaphore(%run_scoped3A : memref<!tpu.dma_semaphore, #tpu.memory_space<semaphore_mem>>) src(%dma_wait3A_297 : memref<2x16xi32, #tpu.memory_space<hbm>>) dst(%arg7 : memref<2x16xi32, #tpu.memory_space<vmem>>)
      tpu.yield
    }) : () -> ()
    %broadcast_in_dim3A = vector.broadcast %select_n3A : i32 to vector<16xi32>
    %iota3A = tpu.iota {dimensions = array<i32: 0>} : vector<16xi32>
    %get3A = arith.constant 0 : i32
    %get3A_21 = arith.index_cast %get3A : i32 to index
    %get3A_22 = arith.constant 0 : index
    %get3A_23 = tpu.vector_load %arg7[%get3A_21, %get3A_22] {strides = array<i32>} : memref<2x16xi32, #tpu.memory_space<vmem>>, vector<1x16xi32>,
    %get3A_24 = vector.shape_cast %get3A_23 : vector<1x16xi32> to vector<16xi32>
    %scan3A = arith.constant 0 : i32
    %scan3A_25 = arith.constant 128 : i32
    %scan3A_26 = arith.addi %scan3A, %scan3A_25 : i32
    %scan3A_27 = arith.constant 1 : i32
    scf.for %scan3A_290 = %scan3A to %scan3A_26 step %scan3A_27  : i32 {
      %mul3A_291 = arith.constant 16 : i32
      %mul3A_292 = arith.muli %scan3A_290, %mul3A_291 : i32
      %get3A_293 = arith.index_cast %mul3A_292 : i32 to index
      %get3A_294 = tpu.vector_load %arg6[%get3A_293] {strides = array<i32>} : memref<2048xi32, #tpu.memory_space<vmem>>, vector<16xi32>,
      %get3A_295 = vector.shape_cast %get3A_294 : vector<16xi32> to vector<16xi32>
      %eq3A = arith.constant 1 : i32
      %eq3A_296 = vector.broadcast %eq3A : i32 to vector<16xi32>
      %eq3A_297 = arith.cmpi eq, %get3A_295, %eq3A_296 : vector<16xi32>
      %select_n3A_298 = arith.select %eq3A_297, %broadcast_in_dim3A, %get3A_24 : vector<16xi1>, vector<16xi32>
      %mul3A_299 = arith.constant 2048 : i32
      %mul3A_300 = vector.broadcast %mul3A_299 : i32 to vector<16xi32>
      %mul3A_301 = arith.muli %select_n3A_298, %mul3A_300 : vector<16xi32>
      %mul3A_302 = arith.constant 16 : i32
      %mul3A_303 = arith.muli %scan3A_290, %mul3A_302 : i32
      %add3A_304 = vector.broadcast %mul3A_303 : i32 to vector<16xi32>
      %add3A_305 = arith.addi %mul3A_301, %add3A_304 : vector<16xi32>
      %add3A_306 = arith.addi %add3A_305, %iota3A : vector<16xi32>
      %mul3A_307 = arith.constant 16 : i32
      %mul3A_308 = arith.muli %scan3A_290, %mul3A_307 : i32
      %add3A_309 = arith.constant 0 : i32
      %add3A_310 = arith.addi %add3A_309, %mul3A_308 : i32
      %swap3A = arith.index_cast %add3A_310 : i32 to index
      %swap3A_311 = tpu.vector_load %arg8[%swap3A] {strides = array<i32>} : memref<4096xi32, #tpu.memory_space<vmem>>, vector<16xi32>,
      %swap3A_312 = vector.shape_cast %swap3A_311 : vector<16xi32> to vector<16xi32>
      %swap3A_313 = vector.shape_cast %add3A_306 : vector<16xi32> to vector<16xi32>
      tpu.vector_store %arg8[%swap3A], %swap3A_313 {strides = array<i32>} : memref<4096xi32, #tpu.memory_space<vmem>>, vector<16xi32>,
    }
    %scan3A_28 = arith.constant 128 : i32
    %get3A_29 = arith.constant 1 : i32
    %get3A_30 = arith.index_cast %get3A_29 : i32 to index
    %get3A_31 = arith.constant 0 : index
    %get3A_32 = tpu.vector_load %arg7[%get3A_30, %get3A_31] {strides = array<i32>} : memref<2x16xi32, #tpu.memory_space<vmem>>, vector<1x16xi32>,
    %get3A_33 = vector.shape_cast %get3A_32 : vector<1x16xi32> to vector<16xi32>
    %scan3A_34 = arith.constant 0 : i32
    %scan3A_35 = arith.constant 128 : i32
    %scan3A_36 = arith.addi %scan3A_34, %scan3A_35 : i32
    %scan3A_37 = arith.constant 1 : i32
    scf.for %scan3A_290 = %scan3A_34 to %scan3A_36 step %scan3A_37  : i32 {
      %mul3A_291 = arith.constant 16 : i32
      %mul3A_292 = arith.muli %scan3A_290, %mul3A_291 : i32
      %get3A_293 = arith.index_cast %mul3A_292 : i32 to index
      %get3A_294 = tpu.vector_load %arg6[%get3A_293] {strides = array<i32>} : memref<2048xi32, #tpu.memory_space<vmem>>, vector<16xi32>,
      %get3A_295 = vector.shape_cast %get3A_294 : vector<16xi32> to vector<16xi32>
      %eq3A = arith.constant 1 : i32
      %eq3A_296 = vector.broadcast %eq3A : i32 to vector<16xi32>
      %eq3A_297 = arith.cmpi eq, %get3A_295, %eq3A_296 : vector<16xi32>
      %select_n3A_298 = arith.select %eq3A_297, %broadcast_in_dim3A, %get3A_33 : vector<16xi1>, vector<16xi32>
      %mul3A_299 = arith.constant 2048 : i32
      %mul3A_300 = vector.broadcast %mul3A_299 : i32 to vector<16xi32>
      %mul3A_301 = arith.muli %select_n3A_298, %mul3A_300 : vector<16xi32>
      %mul3A_302 = arith.constant 16 : i32
      %mul3A_303 = arith.muli %scan3A_290, %mul3A_302 : i32
      %add3A_304 = vector.broadcast %mul3A_303 : i32 to vector<16xi32>
      %add3A_305 = arith.addi %mul3A_301, %add3A_304 : vector<16xi32>
      %add3A_306 = arith.addi %add3A_305, %iota3A : vector<16xi32>
      %mul3A_307 = arith.constant 16 : i32
      %mul3A_308 = arith.muli %scan3A_290, %mul3A_307 : i32
      %add3A_309 = arith.constant 2048 : i32
      %add3A_310 = arith.addi %add3A_309, %mul3A_308 : i32
      %swap3A = arith.index_cast %add3A_310 : i32 to index
      %swap3A_311 = tpu.vector_load %arg8[%swap3A] {strides = array<i32>} : memref<4096xi32, #tpu.memory_space<vmem>>, vector<16xi32>,
      %swap3A_312 = vector.shape_cast %swap3A_311 : vector<16xi32> to vector<16xi32>
      %swap3A_313 = vector.shape_cast %add3A_306 : vector<16xi32> to vector<16xi32>
      tpu.vector_store %arg8[%swap3A], %swap3A_313 {strides = array<i32>} : memref<4096xi32, #tpu.memory_space<vmem>>, vector<16xi32>,
    }
    %scan3A_38 = arith.constant 128 : i32
    %dma_start3A = arith.constant 0 : i32
    %dma_start3A_39 = arith.constant 0 : i32
    %dma_start3A_40 = arith.constant 0 : i32
    %dma_start3A_41 = arith.constant 0 : i32
    %dma_start3A_42 = tpu.memref_slice %arg9[%dma_start3A, %dma_start3A_40, %dma_start3A_41] : memref<4x32x768xf32, #tpu.memory_space<vmem>> -> memref<1x32x768xf32, #tpu.memory_space<vmem>>
    %dma_start3A_43 = tpu.memref_squeeze %dma_start3A_42 : memref<1x32x768xf32, #tpu.memory_space<vmem>> -> memref<32x768xf32, #tpu.memory_space<vmem>>
    %dma_start3A_44 = arith.constant 0 : i32
    %dma_start3A_45 = tpu.memref_slice %arg8[%dma_start3A_44] : memref<4096xi32, #tpu.memory_space<vmem>> -> memref<32xi32, #tpu.memory_space<vmem>>
    %dma_start3A_46 = arith.constant 0 : i32
    %dma_start3A_47 = arith.constant 0 : i32
    %dma_start3A_48 = tpu.memref_slice %arg2[%dma_start3A_46, %dma_start3A_47] : memref<32768x768xf32, #tpu.memory_space<hbm>> -> memref<32768x768xf32, #tpu.memory_space<hbm>>
    %dma_start3A_49 = tpu.memref_slice %arg10[%dma_start3A_39] : memref<4x!tpu.dma_semaphore, #tpu.memory_space<semaphore_mem>> -> memref<1x!tpu.dma_semaphore, #tpu.memory_space<semaphore_mem>>
    %dma_start3A_50 = tpu.memref_squeeze %dma_start3A_49 : memref<1x!tpu.dma_semaphore, #tpu.memory_space<semaphore_mem>> -> memref<!tpu.dma_semaphore, #tpu.memory_space<semaphore_mem>>
    tpu.enqueue_indirect_dma source(%dma_start3A_48 : memref<32768x768xf32, #tpu.memory_space<hbm>>) target(%dma_start3A_43 : memref<32x768xf32, #tpu.memory_space<vmem>>) offsets(%dma_start3A_45 : memref<32xi32, #tpu.memory_space<vmem>>) semaphore(%dma_start3A_50 : memref<!tpu.dma_semaphore, #tpu.memory_space<semaphore_mem>>)
    %dma_start3A_51 = arith.constant 1 : i32
    %dma_start3A_52 = arith.constant 1 : i32
    %dma_start3A_53 = arith.constant 0 : i32
    %dma_start3A_54 = arith.constant 0 : i32
    %dma_start3A_55 = tpu.memref_slice %arg9[%dma_start3A_51, %dma_start3A_53, %dma_start3A_54] : memref<4x32x768xf32, #tpu.memory_space<vmem>> -> memref<1x32x768xf32, #tpu.memory_space<vmem>>
    %dma_start3A_56 = tpu.memref_squeeze %dma_start3A_55 : memref<1x32x768xf32, #tpu.memory_space<vmem>> -> memref<32x768xf32, #tpu.memory_space<vmem>>
    %dma_start3A_57 = arith.constant 32 : i32
    %dma_start3A_58 = tpu.memref_slice %arg8[%dma_start3A_57] : memref<4096xi32, #tpu.memory_space<vmem>> -> memref<32xi32, #tpu.memory_space<vmem>>
    %dma_start3A_59 = arith.constant 0 : i32
    %dma_start3A_60 = arith.constant 0 : i32
    %dma_start3A_61 = tpu.memref_slice %arg2[%dma_start3A_59, %dma_start3A_60] : memref<32768x768xf32, #tpu.memory_space<hbm>> -> memref<32768x768xf32, #tpu.memory_space<hbm>>
    %dma_start3A_62 = tpu.memref_slice %arg10[%dma_start3A_52] : memref<4x!tpu.dma_semaphore, #tpu.memory_space<semaphore_mem>> -> memref<1x!tpu.dma_semaphore, #tpu.memory_space<semaphore_mem>>
    %dma_start3A_63 = tpu.memref_squeeze %dma_start3A_62 : memref<1x!tpu.dma_semaphore, #tpu.memory_space<semaphore_mem>> -> memref<!tpu.dma_semaphore, #tpu.memory_space<semaphore_mem>>
    tpu.enqueue_indirect_dma source(%dma_start3A_61 : memref<32768x768xf32, #tpu.memory_space<hbm>>) target(%dma_start3A_56 : memref<32x768xf32, #tpu.memory_space<vmem>>) offsets(%dma_start3A_58 : memref<32xi32, #tpu.memory_space<vmem>>) semaphore(%dma_start3A_63 : memref<!tpu.dma_semaphore, #tpu.memory_space<semaphore_mem>>)
    %dma_start3A_64 = arith.constant 2 : i32
    %dma_start3A_65 = arith.constant 2 : i32
    %dma_start3A_66 = arith.constant 0 : i32
    %dma_start3A_67 = arith.constant 0 : i32
    %dma_start3A_68 = tpu.memref_slice %arg9[%dma_start3A_64, %dma_start3A_66, %dma_start3A_67] : memref<4x32x768xf32, #tpu.memory_space<vmem>> -> memref<1x32x768xf32, #tpu.memory_space<vmem>>
    %dma_start3A_69 = tpu.memref_squeeze %dma_start3A_68 : memref<1x32x768xf32, #tpu.memory_space<vmem>> -> memref<32x768xf32, #tpu.memory_space<vmem>>
    %dma_start3A_70 = arith.constant 64 : i32
    %dma_start3A_71 = tpu.memref_slice %arg8[%dma_start3A_70] : memref<4096xi32, #tpu.memory_space<vmem>> -> memref<32xi32, #tpu.memory_space<vmem>>
    %dma_start3A_72 = arith.constant 0 : i32
    %dma_start3A_73 = arith.constant 0 : i32
    %dma_start3A_74 = tpu.memref_slice %arg2[%dma_start3A_72, %dma_start3A_73] : memref<32768x768xf32, #tpu.memory_space<hbm>> -> memref<32768x768xf32, #tpu.memory_space<hbm>>
    %dma_start3A_75 = tpu.memref_slice %arg10[%dma_start3A_65] : memref<4x!tpu.dma_semaphore, #tpu.memory_space<semaphore_mem>> -> memref<1x!tpu.dma_semaphore, #tpu.memory_space<semaphore_mem>>
    %dma_start3A_76 = tpu.memref_squeeze %dma_start3A_75 : memref<1x!tpu.dma_semaphore, #tpu.memory_space<semaphore_mem>> -> memref<!tpu.dma_semaphore, #tpu.memory_space<semaphore_mem>>
    tpu.enqueue_indirect_dma source(%dma_start3A_74 : memref<32768x768xf32, #tpu.memory_space<hbm>>) target(%dma_start3A_69 : memref<32x768xf32, #tpu.memory_space<vmem>>) offsets(%dma_start3A_71 : memref<32xi32, #tpu.memory_space<vmem>>) semaphore(%dma_start3A_76 : memref<!tpu.dma_semaphore, #tpu.memory_space<semaphore_mem>>)
    %dma_wait3A = arith.constant 0 : i32
    %dma_wait3A_77 = arith.constant 0 : i32
    %dma_wait3A_78 = arith.constant 0 : i32
    %dma_wait3A_79 = arith.constant 0 : i32
    %dma_wait3A_80 = tpu.memref_slice %arg9[%dma_wait3A, %dma_wait3A_78, %dma_wait3A_79] : memref<4x32x768xf32, #tpu.memory_space<vmem>> -> memref<1x32x768xf32, #tpu.memory_space<vmem>>
    %dma_wait3A_81 = tpu.memref_squeeze %dma_wait3A_80 : memref<1x32x768xf32, #tpu.memory_space<vmem>> -> memref<32x768xf32, #tpu.memory_space<vmem>>
    %dma_wait3A_82 = arith.constant 0 : i32
    %dma_wait3A_83 = tpu.memref_slice %arg8[%dma_wait3A_82] : memref<4096xi32, #tpu.memory_space<vmem>> -> memref<32xi32, #tpu.memory_space<vmem>>
    %dma_wait3A_84 = arith.constant 0 : i32
    %dma_wait3A_85 = arith.constant 0 : i32
    %dma_wait3A_86 = tpu.memref_slice %arg2[%dma_wait3A_84, %dma_wait3A_85] : memref<32768x768xf32, #tpu.memory_space<hbm>> -> memref<32768x768xf32, #tpu.memory_space<hbm>>
    %dma_wait3A_87 = tpu.memref_slice %arg10[%dma_wait3A_77] : memref<4x!tpu.dma_semaphore, #tpu.memory_space<semaphore_mem>> -> memref<1x!tpu.dma_semaphore, #tpu.memory_space<semaphore_mem>>
    %dma_wait3A_88 = tpu.memref_squeeze %dma_wait3A_87 : memref<1x!tpu.dma_semaphore, #tpu.memory_space<semaphore_mem>> -> memref<!tpu.dma_semaphore, #tpu.memory_space<semaphore_mem>>
    tpu.wait_indirect_dma semaphore(%dma_wait3A_88 : memref<!tpu.dma_semaphore, #tpu.memory_space<semaphore_mem>>) src(%dma_wait3A_86 : memref<32768x768xf32, #tpu.memory_space<hbm>>) dst(%dma_wait3A_81 : memref<32x768xf32, #tpu.memory_space<vmem>>)
    %add3A_89 = arith.constant 0 : i32
    %add3A_90 = arith.addi %mul3A_18, %add3A_89 : i32
    %dma_start3A_91 = arith.constant 0 : i32
    %dma_start3A_92 = arith.constant 0 : i32
    %dma_start3A_93 = arith.constant 0 : i32
    %dma_start3A_94 = arith.constant 0 : i32
    %dma_start3A_95 = tpu.memref_slice %arg9[%dma_start3A_91, %dma_start3A_93, %dma_start3A_94] : memref<4x32x768xf32, #tpu.memory_space<vmem>> -> memref<1x32x768xf32, #tpu.memory_space<vmem>>
    %dma_start3A_96 = tpu.memref_squeeze %dma_start3A_95 : memref<1x32x768xf32, #tpu.memory_space<vmem>> -> memref<32x768xf32, #tpu.memory_space<vmem>>
    %dma_start3A_97 = arith.constant 0 : i32
    %dma_start3A_98 = tpu.memref_slice %arg5[%add3A_90, %dma_start3A_97] : memref<131072x768xf32, #tpu.memory_space<hbm>> -> memref<32x768xf32, #tpu.memory_space<hbm>>
    %dma_start3A_99 = tpu.memref_slice %arg11[%dma_start3A_92] : memref<4x!tpu.dma_semaphore, #tpu.memory_space<semaphore_mem>> -> memref<1x!tpu.dma_semaphore, #tpu.memory_space<semaphore_mem>>
    %dma_start3A_100 = tpu.memref_squeeze %dma_start3A_99 : memref<1x!tpu.dma_semaphore, #tpu.memory_space<semaphore_mem>> -> memref<!tpu.dma_semaphore, #tpu.memory_space<semaphore_mem>>
    %dma_start3A_101 = arith.constant 0 : i32
    %dma_start3A_102 = tpu.memref_slice %arg5[%add3A_90, %dma_start3A_101] : memref<131072x768xf32, #tpu.memory_space<hbm>> -> memref<32x768xf32, #tpu.memory_space<hbm>>
    %dma_start3A_103 = arith.constant 0 : i32
    %dma_start3A_104 = arith.constant 0 : i32
    %dma_start3A_105 = tpu.memref_slice %arg9[%dma_start3A_91, %dma_start3A_103, %dma_start3A_104] : memref<4x32x768xf32, #tpu.memory_space<vmem>> -> memref<1x32x768xf32, #tpu.memory_space<vmem>>
    %dma_start3A_106 = tpu.memref_squeeze %dma_start3A_105 : memref<1x32x768xf32, #tpu.memory_space<vmem>> -> memref<32x768xf32, #tpu.memory_space<vmem>>
    tpu.enqueue_dma source(%dma_start3A_106 : memref<32x768xf32, #tpu.memory_space<vmem>>) target(%dma_start3A_102 : memref<32x768xf32, #tpu.memory_space<hbm>>) target_semaphore(%dma_start3A_100 : memref<!tpu.dma_semaphore, #tpu.memory_space<semaphore_mem>>)
    %dma_start3A_107 = arith.constant 3 : i32
    %dma_start3A_108 = arith.constant 3 : i32
    %dma_start3A_109 = arith.constant 0 : i32
    %dma_start3A_110 = arith.constant 0 : i32
    %dma_start3A_111 = tpu.memref_slice %arg9[%dma_start3A_107, %dma_start3A_109, %dma_start3A_110] : memref<4x32x768xf32, #tpu.memory_space<vmem>> -> memref<1x32x768xf32, #tpu.memory_space<vmem>>
    %dma_start3A_112 = tpu.memref_squeeze %dma_start3A_111 : memref<1x32x768xf32, #tpu.memory_space<vmem>> -> memref<32x768xf32, #tpu.memory_space<vmem>>
    %dma_start3A_113 = arith.constant 96 : i32
    %dma_start3A_114 = tpu.memref_slice %arg8[%dma_start3A_113] : memref<4096xi32, #tpu.memory_space<vmem>> -> memref<32xi32, #tpu.memory_space<vmem>>
    %dma_start3A_115 = arith.constant 0 : i32
    %dma_start3A_116 = arith.constant 0 : i32
    %dma_start3A_117 = tpu.memref_slice %arg2[%dma_start3A_115, %dma_start3A_116] : memref<32768x768xf32, #tpu.memory_space<hbm>> -> memref<32768x768xf32, #tpu.memory_space<hbm>>
    %dma_start3A_118 = tpu.memref_slice %arg10[%dma_start3A_108] : memref<4x!tpu.dma_semaphore, #tpu.memory_space<semaphore_mem>> -> memref<1x!tpu.dma_semaphore, #tpu.memory_space<semaphore_mem>>
    %dma_start3A_119 = tpu.memref_squeeze %dma_start3A_118 : memref<1x!tpu.dma_semaphore, #tpu.memory_space<semaphore_mem>> -> memref<!tpu.dma_semaphore, #tpu.memory_space<semaphore_mem>>
    tpu.enqueue_indirect_dma source(%dma_start3A_117 : memref<32768x768xf32, #tpu.memory_space<hbm>>) target(%dma_start3A_112 : memref<32x768xf32, #tpu.memory_space<vmem>>) offsets(%dma_start3A_114 : memref<32xi32, #tpu.memory_space<vmem>>) semaphore(%dma_start3A_119 : memref<!tpu.dma_semaphore, #tpu.memory_space<semaphore_mem>>)
    %dma_wait3A_120 = arith.constant 1 : i32
    %dma_wait3A_121 = arith.constant 1 : i32
    %dma_wait3A_122 = arith.constant 0 : i32
    %dma_wait3A_123 = arith.constant 0 : i32
    %dma_wait3A_124 = tpu.memref_slice %arg9[%dma_wait3A_120, %dma_wait3A_122, %dma_wait3A_123] : memref<4x32x768xf32, #tpu.memory_space<vmem>> -> memref<1x32x768xf32, #tpu.memory_space<vmem>>
    %dma_wait3A_125 = tpu.memref_squeeze %dma_wait3A_124 : memref<1x32x768xf32, #tpu.memory_space<vmem>> -> memref<32x768xf32, #tpu.memory_space<vmem>>
    %dma_wait3A_126 = arith.constant 32 : i32
    %dma_wait3A_127 = tpu.memref_slice %arg8[%dma_wait3A_126] : memref<4096xi32, #tpu.memory_space<vmem>> -> memref<32xi32, #tpu.memory_space<vmem>>
    %dma_wait3A_128 = arith.constant 0 : i32
    %dma_wait3A_129 = arith.constant 0 : i32
    %dma_wait3A_130 = tpu.memref_slice %arg2[%dma_wait3A_128, %dma_wait3A_129] : memref<32768x768xf32, #tpu.memory_space<hbm>> -> memref<32768x768xf32, #tpu.memory_space<hbm>>
    %dma_wait3A_131 = tpu.memref_slice %arg10[%dma_wait3A_121] : memref<4x!tpu.dma_semaphore, #tpu.memory_space<semaphore_mem>> -> memref<1x!tpu.dma_semaphore, #tpu.memory_space<semaphore_mem>>
    %dma_wait3A_132 = tpu.memref_squeeze %dma_wait3A_131 : memref<1x!tpu.dma_semaphore, #tpu.memory_space<semaphore_mem>> -> memref<!tpu.dma_semaphore, #tpu.memory_space<semaphore_mem>>
    tpu.wait_indirect_dma semaphore(%dma_wait3A_132 : memref<!tpu.dma_semaphore, #tpu.memory_space<semaphore_mem>>) src(%dma_wait3A_130 : memref<32768x768xf32, #tpu.memory_space<hbm>>) dst(%dma_wait3A_125 : memref<32x768xf32, #tpu.memory_space<vmem>>)
    %add3A_133 = arith.constant 32 : i32
    %add3A_134 = arith.addi %mul3A_18, %add3A_133 : i32
    %dma_start3A_135 = arith.constant 1 : i32
    %dma_start3A_136 = arith.constant 1 : i32
    %dma_start3A_137 = arith.constant 0 : i32
    %dma_start3A_138 = arith.constant 0 : i32
    %dma_start3A_139 = tpu.memref_slice %arg9[%dma_start3A_135, %dma_start3A_137, %dma_start3A_138] : memref<4x32x768xf32, #tpu.memory_space<vmem>> -> memref<1x32x768xf32, #tpu.memory_space<vmem>>
    %dma_start3A_140 = tpu.memref_squeeze %dma_start3A_139 : memref<1x32x768xf32, #tpu.memory_space<vmem>> -> memref<32x768xf32, #tpu.memory_space<vmem>>
    %dma_start3A_141 = arith.constant 0 : i32
    %dma_start3A_142 = tpu.memref_slice %arg5[%add3A_134, %dma_start3A_141] : memref<131072x768xf32, #tpu.memory_space<hbm>> -> memref<32x768xf32, #tpu.memory_space<hbm>>
    %dma_start3A_143 = tpu.memref_slice %arg11[%dma_start3A_136] : memref<4x!tpu.dma_semaphore, #tpu.memory_space<semaphore_mem>> -> memref<1x!tpu.dma_semaphore, #tpu.memory_space<semaphore_mem>>
    %dma_start3A_144 = tpu.memref_squeeze %dma_start3A_143 : memref<1x!tpu.dma_semaphore, #tpu.memory_space<semaphore_mem>> -> memref<!tpu.dma_semaphore, #tpu.memory_space<semaphore_mem>>
    %dma_start3A_145 = arith.constant 0 : i32
    %dma_start3A_146 = tpu.memref_slice %arg5[%add3A_134, %dma_start3A_145] : memref<131072x768xf32, #tpu.memory_space<hbm>> -> memref<32x768xf32, #tpu.memory_space<hbm>>
    %dma_start3A_147 = arith.constant 0 : i32
    %dma_start3A_148 = arith.constant 0 : i32
    %dma_start3A_149 = tpu.memref_slice %arg9[%dma_start3A_135, %dma_start3A_147, %dma_start3A_148] : memref<4x32x768xf32, #tpu.memory_space<vmem>> -> memref<1x32x768xf32, #tpu.memory_space<vmem>>
    %dma_start3A_150 = tpu.memref_squeeze %dma_start3A_149 : memref<1x32x768xf32, #tpu.memory_space<vmem>> -> memref<32x768xf32, #tpu.memory_space<vmem>>
    tpu.enqueue_dma source(%dma_start3A_150 : memref<32x768xf32, #tpu.memory_space<vmem>>) target(%dma_start3A_146 : memref<32x768xf32, #tpu.memory_space<hbm>>) target_semaphore(%dma_start3A_144 : memref<!tpu.dma_semaphore, #tpu.memory_space<semaphore_mem>>)
    %scan3A_151 = arith.constant 1 : i32
    %scan3A_152 = arith.constant 31 : i32
    %scan3A_153 = arith.addi %scan3A_151, %scan3A_152 : i32
    %scan3A_154 = arith.constant 1 : i32
    scf.for %scan3A_290 = %scan3A_151 to %scan3A_153 step %scan3A_154  : i32 {
      %mul3A_291 = arith.constant 4 : i32
      %mul3A_292 = arith.muli %scan3A_290, %mul3A_291 : i32
      %add3A_293 = arith.constant 0 : i32
      %add3A_294 = arith.addi %mul3A_292, %add3A_293 : i32
      %sub3A_295 = arith.constant 4 : i32
      %sub3A_296 = arith.subi %add3A_294, %sub3A_295 : i32
      %mul3A_297 = arith.constant 32 : i32
      %mul3A_298 = arith.muli %sub3A_296, %mul3A_297 : i32
      %add3A_299 = arith.addi %mul3A_18, %mul3A_298 : i32
      %dma_wait3A_300 = arith.constant 0 : i32
      %dma_wait3A_301 = arith.constant 0 : i32
      %dma_wait3A_302 = arith.constant 0 : i32
      %dma_wait3A_303 = arith.constant 0 : i32
      %dma_wait3A_304 = tpu.memref_slice %arg9[%dma_wait3A_300, %dma_wait3A_302, %dma_wait3A_303] : memref<4x32x768xf32, #tpu.memory_space<vmem>> -> memref<1x32x768xf32, #tpu.memory_space<vmem>>
      %dma_wait3A_305 = tpu.memref_squeeze %dma_wait3A_304 : memref<1x32x768xf32, #tpu.memory_space<vmem>> -> memref<32x768xf32, #tpu.memory_space<vmem>>
      %dma_wait3A_306 = arith.constant 0 : i32
      %dma_wait3A_307 = tpu.memref_slice %arg5[%add3A_299, %dma_wait3A_306] : memref<131072x768xf32, #tpu.memory_space<hbm>> -> memref<32x768xf32, #tpu.memory_space<hbm>>
      %dma_wait3A_308 = tpu.memref_slice %arg11[%dma_wait3A_301] : memref<4x!tpu.dma_semaphore, #tpu.memory_space<semaphore_mem>> -> memref<1x!tpu.dma_semaphore, #tpu.memory_space<semaphore_mem>>
      %dma_wait3A_309 = tpu.memref_squeeze %dma_wait3A_308 : memref<1x!tpu.dma_semaphore, #tpu.memory_space<semaphore_mem>> -> memref<!tpu.dma_semaphore, #tpu.memory_space<semaphore_mem>>
      %dma_wait3A_310 = arith.constant 0 : i32
      %dma_wait3A_311 = tpu.memref_slice %arg5[%add3A_299, %dma_wait3A_310] : memref<131072x768xf32, #tpu.memory_space<hbm>> -> memref<32x768xf32, #tpu.memory_space<hbm>>
      %dma_wait3A_312 = arith.constant 0 : i32
      %dma_wait3A_313 = arith.constant 0 : i32
      %dma_wait3A_314 = tpu.memref_slice %arg9[%dma_wait3A_300, %dma_wait3A_312, %dma_wait3A_313] : memref<4x32x768xf32, #tpu.memory_space<vmem>> -> memref<1x32x768xf32, #tpu.memory_space<vmem>>
      %dma_wait3A_315 = tpu.memref_squeeze %dma_wait3A_314 : memref<1x32x768xf32, #tpu.memory_space<vmem>> -> memref<32x768xf32, #tpu.memory_space<vmem>>
      tpu.wait_dma2 semaphore(%dma_wait3A_309 : memref<!tpu.dma_semaphore, #tpu.memory_space<semaphore_mem>>) src(%dma_wait3A_315 : memref<32x768xf32, #tpu.memory_space<vmem>>) dst(%dma_wait3A_311 : memref<32x768xf32, #tpu.memory_space<hbm>>)
      %mul3A_316 = arith.constant 32 : i32
      %mul3A_317 = arith.muli %add3A_294, %mul3A_316 : i32
      %dma_start3A_318 = arith.constant 0 : i32
      %dma_start3A_319 = arith.constant 0 : i32
      %dma_start3A_320 = arith.constant 0 : i32
      %dma_start3A_321 = arith.constant 0 : i32
      %dma_start3A_322 = tpu.memref_slice %arg9[%dma_start3A_318, %dma_start3A_320, %dma_start3A_321] : memref<4x32x768xf32, #tpu.memory_space<vmem>> -> memref<1x32x768xf32, #tpu.memory_space<vmem>>
      %dma_start3A_323 = tpu.memref_squeeze %dma_start3A_322 : memref<1x32x768xf32, #tpu.memory_space<vmem>> -> memref<32x768xf32, #tpu.memory_space<vmem>>
      %dma_start3A_324 = tpu.memref_slice %arg8[%mul3A_317] : memref<4096xi32, #tpu.memory_space<vmem>> -> memref<32xi32, #tpu.memory_space<vmem>>
      %dma_start3A_325 = arith.constant 0 : i32
      %dma_start3A_326 = arith.constant 0 : i32
      %dma_start3A_327 = tpu.memref_slice %arg2[%dma_start3A_325, %dma_start3A_326] : memref<32768x768xf32, #tpu.memory_space<hbm>> -> memref<32768x768xf32, #tpu.memory_space<hbm>>
      %dma_start3A_328 = tpu.memref_slice %arg10[%dma_start3A_319] : memref<4x!tpu.dma_semaphore, #tpu.memory_space<semaphore_mem>> -> memref<1x!tpu.dma_semaphore, #tpu.memory_space<semaphore_mem>>
      %dma_start3A_329 = tpu.memref_squeeze %dma_start3A_328 : memref<1x!tpu.dma_semaphore, #tpu.memory_space<semaphore_mem>> -> memref<!tpu.dma_semaphore, #tpu.memory_space<semaphore_mem>>
      tpu.enqueue_indirect_dma source(%dma_start3A_327 : memref<32768x768xf32, #tpu.memory_space<hbm>>) target(%dma_start3A_323 : memref<32x768xf32, #tpu.memory_space<vmem>>) offsets(%dma_start3A_324 : memref<32xi32, #tpu.memory_space<vmem>>) semaphore(%dma_start3A_329 : memref<!tpu.dma_semaphore, #tpu.memory_space<semaphore_mem>>)
      %sub3A_330 = arith.constant 2 : i32
      %sub3A_331 = arith.subi %add3A_294, %sub3A_330 : i32
      %mul3A_332 = arith.constant 32 : i32
      %mul3A_333 = arith.muli %sub3A_331, %mul3A_332 : i32
      %dma_wait3A_334 = arith.constant 2 : i32
      %dma_wait3A_335 = arith.constant 2 : i32
      %dma_wait3A_336 = arith.constant 0 : i32
      %dma_wait3A_337 = arith.constant 0 : i32
      %dma_wait3A_338 = tpu.memref_slice %arg9[%dma_wait3A_334, %dma_wait3A_336, %dma_wait3A_337] : memref<4x32x768xf32, #tpu.memory_space<vmem>> -> memref<1x32x768xf32, #tpu.memory_space<vmem>>
      %dma_wait3A_339 = tpu.memref_squeeze %dma_wait3A_338 : memref<1x32x768xf32, #tpu.memory_space<vmem>> -> memref<32x768xf32, #tpu.memory_space<vmem>>
      %dma_wait3A_340 = tpu.memref_slice %arg8[%mul3A_333] : memref<4096xi32, #tpu.memory_space<vmem>> -> memref<32xi32, #tpu.memory_space<vmem>>
      %dma_wait3A_341 = arith.constant 0 : i32
      %dma_wait3A_342 = arith.constant 0 : i32
      %dma_wait3A_343 = tpu.memref_slice %arg2[%dma_wait3A_341, %dma_wait3A_342] : memref<32768x768xf32, #tpu.memory_space<hbm>> -> memref<32768x768xf32, #tpu.memory_space<hbm>>
      %dma_wait3A_344 = tpu.memref_slice %arg10[%dma_wait3A_335] : memref<4x!tpu.dma_semaphore, #tpu.memory_space<semaphore_mem>> -> memref<1x!tpu.dma_semaphore, #tpu.memory_space<semaphore_mem>>
      %dma_wait3A_345 = tpu.memref_squeeze %dma_wait3A_344 : memref<1x!tpu.dma_semaphore, #tpu.memory_space<semaphore_mem>> -> memref<!tpu.dma_semaphore, #tpu.memory_space<semaphore_mem>>
      tpu.wait_indirect_dma semaphore(%dma_wait3A_345 : memref<!tpu.dma_semaphore, #tpu.memory_space<semaphore_mem>>) src(%dma_wait3A_343 : memref<32768x768xf32, #tpu.memory_space<hbm>>) dst(%dma_wait3A_339 : memref<32x768xf32, #tpu.memory_space<vmem>>)
      %sub3A_346 = arith.constant 2 : i32
      %sub3A_347 = arith.subi %add3A_294, %sub3A_346 : i32
      %mul3A_348 = arith.constant 32 : i32
      %mul3A_349 = arith.muli %sub3A_347, %mul3A_348 : i32
      %add3A_350 = arith.addi %mul3A_18, %mul3A_349 : i32
      %dma_start3A_351 = arith.constant 2 : i32
      %dma_start3A_352 = arith.constant 2 : i32
      %dma_start3A_353 = arith.constant 0 : i32
      %dma_start3A_354 = arith.constant 0 : i32
      %dma_start3A_355 = tpu.memref_slice %arg9[%dma_start3A_351, %dma_start3A_353, %dma_start3A_354] : memref<4x32x768xf32, #tpu.memory_space<vmem>> -> memref<1x32x768xf32, #tpu.memory_space<vmem>>
      %dma_start3A_356 = tpu.memref_squeeze %dma_start3A_355 : memref<1x32x768xf32, #tpu.memory_space<vmem>> -> memref<32x768xf32, #tpu.memory_space<vmem>>
      %dma_start3A_357 = arith.constant 0 : i32
      %dma_start3A_358 = tpu.memref_slice %arg5[%add3A_350, %dma_start3A_357] : memref<131072x768xf32, #tpu.memory_space<hbm>> -> memref<32x768xf32, #tpu.memory_space<hbm>>
      %dma_start3A_359 = tpu.memref_slice %arg11[%dma_start3A_352] : memref<4x!tpu.dma_semaphore, #tpu.memory_space<semaphore_mem>> -> memref<1x!tpu.dma_semaphore, #tpu.memory_space<semaphore_mem>>
      %dma_start3A_360 = tpu.memref_squeeze %dma_start3A_359 : memref<1x!tpu.dma_semaphore, #tpu.memory_space<semaphore_mem>> -> memref<!tpu.dma_semaphore, #tpu.memory_space<semaphore_mem>>
      %dma_start3A_361 = arith.constant 0 : i32
      %dma_start3A_362 = tpu.memref_slice %arg5[%add3A_350, %dma_start3A_361] : memref<131072x768xf32, #tpu.memory_space<hbm>> -> memref<32x768xf32, #tpu.memory_space<hbm>>
      %dma_start3A_363 = arith.constant 0 : i32
      %dma_start3A_364 = arith.constant 0 : i32
      %dma_start3A_365 = tpu.memref_slice %arg9[%dma_start3A_351, %dma_start3A_363, %dma_start3A_364] : memref<4x32x768xf32, #tpu.memory_space<vmem>> -> memref<1x32x768xf32, #tpu.memory_space<vmem>>
      %dma_start3A_366 = tpu.memref_squeeze %dma_start3A_365 : memref<1x32x768xf32, #tpu.memory_space<vmem>> -> memref<32x768xf32, #tpu.memory_space<vmem>>
      tpu.enqueue_dma source(%dma_start3A_366 : memref<32x768xf32, #tpu.memory_space<vmem>>) target(%dma_start3A_362 : memref<32x768xf32, #tpu.memory_space<hbm>>) target_semaphore(%dma_start3A_360 : memref<!tpu.dma_semaphore, #tpu.memory_space<semaphore_mem>>)
      %mul3A_367 = arith.constant 4 : i32
      %mul3A_368 = arith.muli %scan3A_290, %mul3A_367 : i32
      %add3A_369 = arith.constant 1 : i32
      %add3A_370 = arith.addi %mul3A_368, %add3A_369 : i32
      %sub3A_371 = arith.constant 4 : i32
      %sub3A_372 = arith.subi %add3A_370, %sub3A_371 : i32
      %mul3A_373 = arith.constant 32 : i32
      %mul3A_374 = arith.muli %sub3A_372, %mul3A_373 : i32
      %add3A_375 = arith.addi %mul3A_18, %mul3A_374 : i32
      %dma_wait3A_376 = arith.constant 1 : i32
      %dma_wait3A_377 = arith.constant 1 : i32
      %dma_wait3A_378 = arith.constant 0 : i32
      %dma_wait3A_379 = arith.constant 0 : i32
      %dma_wait3A_380 = tpu.memref_slice %arg9[%dma_wait3A_376, %dma_wait3A_378, %dma_wait3A_379] : memref<4x32x768xf32, #tpu.memory_space<vmem>> -> memref<1x32x768xf32, #tpu.memory_space<vmem>>
      %dma_wait3A_381 = tpu.memref_squeeze %dma_wait3A_380 : memref<1x32x768xf32, #tpu.memory_space<vmem>> -> memref<32x768xf32, #tpu.memory_space<vmem>>
      %dma_wait3A_382 = arith.constant 0 : i32
      %dma_wait3A_383 = tpu.memref_slice %arg5[%add3A_375, %dma_wait3A_382] : memref<131072x768xf32, #tpu.memory_space<hbm>> -> memref<32x768xf32, #tpu.memory_space<hbm>>
      %dma_wait3A_384 = tpu.memref_slice %arg11[%dma_wait3A_377] : memref<4x!tpu.dma_semaphore, #tpu.memory_space<semaphore_mem>> -> memref<1x!tpu.dma_semaphore, #tpu.memory_space<semaphore_mem>>
      %dma_wait3A_385 = tpu.memref_squeeze %dma_wait3A_384 : memref<1x!tpu.dma_semaphore, #tpu.memory_space<semaphore_mem>> -> memref<!tpu.dma_semaphore, #tpu.memory_space<semaphore_mem>>
      %dma_wait3A_386 = arith.constant 0 : i32
      %dma_wait3A_387 = tpu.memref_slice %arg5[%add3A_375, %dma_wait3A_386] : memref<131072x768xf32, #tpu.memory_space<hbm>> -> memref<32x768xf32, #tpu.memory_space<hbm>>
      %dma_wait3A_388 = arith.constant 0 : i32
      %dma_wait3A_389 = arith.constant 0 : i32
      %dma_wait3A_390 = tpu.memref_slice %arg9[%dma_wait3A_376, %dma_wait3A_388, %dma_wait3A_389] : memref<4x32x768xf32, #tpu.memory_space<vmem>> -> memref<1x32x768xf32, #tpu.memory_space<vmem>>
      %dma_wait3A_391 = tpu.memref_squeeze %dma_wait3A_390 : memref<1x32x768xf32, #tpu.memory_space<vmem>> -> memref<32x768xf32, #tpu.memory_space<vmem>>
      tpu.wait_dma2 semaphore(%dma_wait3A_385 : memref<!tpu.dma_semaphore, #tpu.memory_space<semaphore_mem>>) src(%dma_wait3A_391 : memref<32x768xf32, #tpu.memory_space<vmem>>) dst(%dma_wait3A_387 : memref<32x768xf32, #tpu.memory_space<hbm>>)
      %mul3A_392 = arith.constant 32 : i32
      %mul3A_393 = arith.muli %add3A_370, %mul3A_392 : i32
      %dma_start3A_394 = arith.constant 1 : i32
      %dma_start3A_395 = arith.constant 1 : i32
      %dma_start3A_396 = arith.constant 0 : i32
      %dma_start3A_397 = arith.constant 0 : i32
      %dma_start3A_398 = tpu.memref_slice %arg9[%dma_start3A_394, %dma_start3A_396, %dma_start3A_397] : memref<4x32x768xf32, #tpu.memory_space<vmem>> -> memref<1x32x768xf32, #tpu.memory_space<vmem>>
      %dma_start3A_399 = tpu.memref_squeeze %dma_start3A_398 : memref<1x32x768xf32, #tpu.memory_space<vmem>> -> memref<32x768xf32, #tpu.memory_space<vmem>>
      %dma_start3A_400 = tpu.memref_slice %arg8[%mul3A_393] : memref<4096xi32, #tpu.memory_space<vmem>> -> memref<32xi32, #tpu.memory_space<vmem>>
      %dma_start3A_401 = arith.constant 0 : i32
      %dma_start3A_402 = arith.constant 0 : i32
      %dma_start3A_403 = tpu.memref_slice %arg2[%dma_start3A_401, %dma_start3A_402] : memref<32768x768xf32, #tpu.memory_space<hbm>> -> memref<32768x768xf32, #tpu.memory_space<hbm>>
      %dma_start3A_404 = tpu.memref_slice %arg10[%dma_start3A_395] : memref<4x!tpu.dma_semaphore, #tpu.memory_space<semaphore_mem>> -> memref<1x!tpu.dma_semaphore, #tpu.memory_space<semaphore_mem>>
      %dma_start3A_405 = tpu.memref_squeeze %dma_start3A_404 : memref<1x!tpu.dma_semaphore, #tpu.memory_space<semaphore_mem>> -> memref<!tpu.dma_semaphore, #tpu.memory_space<semaphore_mem>>
      tpu.enqueue_indirect_dma source(%dma_start3A_403 : memref<32768x768xf32, #tpu.memory_space<hbm>>) target(%dma_start3A_399 : memref<32x768xf32, #tpu.memory_space<vmem>>) offsets(%dma_start3A_400 : memref<32xi32, #tpu.memory_space<vmem>>) semaphore(%dma_start3A_405 : memref<!tpu.dma_semaphore, #tpu.memory_space<semaphore_mem>>)
      %sub3A_406 = arith.constant 2 : i32
      %sub3A_407 = arith.subi %add3A_370, %sub3A_406 : i32
      %mul3A_408 = arith.constant 32 : i32
      %mul3A_409 = arith.muli %sub3A_407, %mul3A_408 : i32
      %dma_wait3A_410 = arith.constant 3 : i32
      %dma_wait3A_411 = arith.constant 3 : i32
      %dma_wait3A_412 = arith.constant 0 : i32
      %dma_wait3A_413 = arith.constant 0 : i32
      %dma_wait3A_414 = tpu.memref_slice %arg9[%dma_wait3A_410, %dma_wait3A_412, %dma_wait3A_413] : memref<4x32x768xf32, #tpu.memory_space<vmem>> -> memref<1x32x768xf32, #tpu.memory_space<vmem>>
      %dma_wait3A_415 = tpu.memref_squeeze %dma_wait3A_414 : memref<1x32x768xf32, #tpu.memory_space<vmem>> -> memref<32x768xf32, #tpu.memory_space<vmem>>
      %dma_wait3A_416 = tpu.memref_slice %arg8[%mul3A_409] : memref<4096xi32, #tpu.memory_space<vmem>> -> memref<32xi32, #tpu.memory_space<vmem>>
      %dma_wait3A_417 = arith.constant 0 : i32
      %dma_wait3A_418 = arith.constant 0 : i32
      %dma_wait3A_419 = tpu.memref_slice %arg2[%dma_wait3A_417, %dma_wait3A_418] : memref<32768x768xf32, #tpu.memory_space<hbm>> -> memref<32768x768xf32, #tpu.memory_space<hbm>>
      %dma_wait3A_420 = tpu.memref_slice %arg10[%dma_wait3A_411] : memref<4x!tpu.dma_semaphore, #tpu.memory_space<semaphore_mem>> -> memref<1x!tpu.dma_semaphore, #tpu.memory_space<semaphore_mem>>
      %dma_wait3A_421 = tpu.memref_squeeze %dma_wait3A_420 : memref<1x!tpu.dma_semaphore, #tpu.memory_space<semaphore_mem>> -> memref<!tpu.dma_semaphore, #tpu.memory_space<semaphore_mem>>
      tpu.wait_indirect_dma semaphore(%dma_wait3A_421 : memref<!tpu.dma_semaphore, #tpu.memory_space<semaphore_mem>>) src(%dma_wait3A_419 : memref<32768x768xf32, #tpu.memory_space<hbm>>) dst(%dma_wait3A_415 : memref<32x768xf32, #tpu.memory_space<vmem>>)
      %sub3A_422 = arith.constant 2 : i32
      %sub3A_423 = arith.subi %add3A_370, %sub3A_422 : i32
      %mul3A_424 = arith.constant 32 : i32
      %mul3A_425 = arith.muli %sub3A_423, %mul3A_424 : i32
      %add3A_426 = arith.addi %mul3A_18, %mul3A_425 : i32
      %dma_start3A_427 = arith.constant 3 : i32
      %dma_start3A_428 = arith.constant 3 : i32
      %dma_start3A_429 = arith.constant 0 : i32
      %dma_start3A_430 = arith.constant 0 : i32
      %dma_start3A_431 = tpu.memref_slice %arg9[%dma_start3A_427, %dma_start3A_429, %dma_start3A_430] : memref<4x32x768xf32, #tpu.memory_space<vmem>> -> memref<1x32x768xf32, #tpu.memory_space<vmem>>
      %dma_start3A_432 = tpu.memref_squeeze %dma_start3A_431 : memref<1x32x768xf32, #tpu.memory_space<vmem>> -> memref<32x768xf32, #tpu.memory_space<vmem>>
      %dma_start3A_433 = arith.constant 0 : i32
      %dma_start3A_434 = tpu.memref_slice %arg5[%add3A_426, %dma_start3A_433] : memref<131072x768xf32, #tpu.memory_space<hbm>> -> memref<32x768xf32, #tpu.memory_space<hbm>>
      %dma_start3A_435 = tpu.memref_slice %arg11[%dma_start3A_428] : memref<4x!tpu.dma_semaphore, #tpu.memory_space<semaphore_mem>> -> memref<1x!tpu.dma_semaphore, #tpu.memory_space<semaphore_mem>>
      %dma_start3A_436 = tpu.memref_squeeze %dma_start3A_435 : memref<1x!tpu.dma_semaphore, #tpu.memory_space<semaphore_mem>> -> memref<!tpu.dma_semaphore, #tpu.memory_space<semaphore_mem>>
      %dma_start3A_437 = arith.constant 0 : i32
      %dma_start3A_438 = tpu.memref_slice %arg5[%add3A_426, %dma_start3A_437] : memref<131072x768xf32, #tpu.memory_space<hbm>> -> memref<32x768xf32, #tpu.memory_space<hbm>>
      %dma_start3A_439 = arith.constant 0 : i32
      %dma_start3A_440 = arith.constant 0 : i32
      %dma_start3A_441 = tpu.memref_slice %arg9[%dma_start3A_427, %dma_start3A_439, %dma_start3A_440] : memref<4x32x768xf32, #tpu.memory_space<vmem>> -> memref<1x32x768xf32, #tpu.memory_space<vmem>>
      %dma_start3A_442 = tpu.memref_squeeze %dma_start3A_441 : memref<1x32x768xf32, #tpu.memory_space<vmem>> -> memref<32x768xf32, #tpu.memory_space<vmem>>
      tpu.enqueue_dma source(%dma_start3A_442 : memref<32x768xf32, #tpu.memory_space<vmem>>) target(%dma_start3A_438 : memref<32x768xf32, #tpu.memory_space<hbm>>) target_semaphore(%dma_start3A_436 : memref<!tpu.dma_semaphore, #tpu.memory_space<semaphore_mem>>)
      %mul3A_443 = arith.constant 4 : i32
      %mul3A_444 = arith.muli %scan3A_290, %mul3A_443 : i32
      %add3A_445 = arith.constant 2 : i32
      %add3A_446 = arith.addi %mul3A_444, %add3A_445 : i32
      %sub3A_447 = arith.constant 4 : i32
      %sub3A_448 = arith.subi %add3A_446, %sub3A_447 : i32
      %mul3A_449 = arith.constant 32 : i32
      %mul3A_450 = arith.muli %sub3A_448, %mul3A_449 : i32
      %add3A_451 = arith.addi %mul3A_18, %mul3A_450 : i32
      %dma_wait3A_452 = arith.constant 2 : i32
      %dma_wait3A_453 = arith.constant 2 : i32
      %dma_wait3A_454 = arith.constant 0 : i32
      %dma_wait3A_455 = arith.constant 0 : i32
      %dma_wait3A_456 = tpu.memref_slice %arg9[%dma_wait3A_452, %dma_wait3A_454, %dma_wait3A_455] : memref<4x32x768xf32, #tpu.memory_space<vmem>> -> memref<1x32x768xf32, #tpu.memory_space<vmem>>
      %dma_wait3A_457 = tpu.memref_squeeze %dma_wait3A_456 : memref<1x32x768xf32, #tpu.memory_space<vmem>> -> memref<32x768xf32, #tpu.memory_space<vmem>>
      %dma_wait3A_458 = arith.constant 0 : i32
      %dma_wait3A_459 = tpu.memref_slice %arg5[%add3A_451, %dma_wait3A_458] : memref<131072x768xf32, #tpu.memory_space<hbm>> -> memref<32x768xf32, #tpu.memory_space<hbm>>
      %dma_wait3A_460 = tpu.memref_slice %arg11[%dma_wait3A_453] : memref<4x!tpu.dma_semaphore, #tpu.memory_space<semaphore_mem>> -> memref<1x!tpu.dma_semaphore, #tpu.memory_space<semaphore_mem>>
      %dma_wait3A_461 = tpu.memref_squeeze %dma_wait3A_460 : memref<1x!tpu.dma_semaphore, #tpu.memory_space<semaphore_mem>> -> memref<!tpu.dma_semaphore, #tpu.memory_space<semaphore_mem>>
      %dma_wait3A_462 = arith.constant 0 : i32
      %dma_wait3A_463 = tpu.memref_slice %arg5[%add3A_451, %dma_wait3A_462] : memref<131072x768xf32, #tpu.memory_space<hbm>> -> memref<32x768xf32, #tpu.memory_space<hbm>>
      %dma_wait3A_464 = arith.constant 0 : i32
      %dma_wait3A_465 = arith.constant 0 : i32
      %dma_wait3A_466 = tpu.memref_slice %arg9[%dma_wait3A_452, %dma_wait3A_464, %dma_wait3A_465] : memref<4x32x768xf32, #tpu.memory_space<vmem>> -> memref<1x32x768xf32, #tpu.memory_space<vmem>>
      %dma_wait3A_467 = tpu.memref_squeeze %dma_wait3A_466 : memref<1x32x768xf32, #tpu.memory_space<vmem>> -> memref<32x768xf32, #tpu.memory_space<vmem>>
      tpu.wait_dma2 semaphore(%dma_wait3A_461 : memref<!tpu.dma_semaphore, #tpu.memory_space<semaphore_mem>>) src(%dma_wait3A_467 : memref<32x768xf32, #tpu.memory_space<vmem>>) dst(%dma_wait3A_463 : memref<32x768xf32, #tpu.memory_space<hbm>>)
      %mul3A_468 = arith.constant 32 : i32
      %mul3A_469 = arith.muli %add3A_446, %mul3A_468 : i32
      %dma_start3A_470 = arith.constant 2 : i32
      %dma_start3A_471 = arith.constant 2 : i32
      %dma_start3A_472 = arith.constant 0 : i32
      %dma_start3A_473 = arith.constant 0 : i32
      %dma_start3A_474 = tpu.memref_slice %arg9[%dma_start3A_470, %dma_start3A_472, %dma_start3A_473] : memref<4x32x768xf32, #tpu.memory_space<vmem>> -> memref<1x32x768xf32, #tpu.memory_space<vmem>>
      %dma_start3A_475 = tpu.memref_squeeze %dma_start3A_474 : memref<1x32x768xf32, #tpu.memory_space<vmem>> -> memref<32x768xf32, #tpu.memory_space<vmem>>
      %dma_start3A_476 = tpu.memref_slice %arg8[%mul3A_469] : memref<4096xi32, #tpu.memory_space<vmem>> -> memref<32xi32, #tpu.memory_space<vmem>>
      %dma_start3A_477 = arith.constant 0 : i32
      %dma_start3A_478 = arith.constant 0 : i32
      %dma_start3A_479 = tpu.memref_slice %arg2[%dma_start3A_477, %dma_start3A_478] : memref<32768x768xf32, #tpu.memory_space<hbm>> -> memref<32768x768xf32, #tpu.memory_space<hbm>>
      %dma_start3A_480 = tpu.memref_slice %arg10[%dma_start3A_471] : memref<4x!tpu.dma_semaphore, #tpu.memory_space<semaphore_mem>> -> memref<1x!tpu.dma_semaphore, #tpu.memory_space<semaphore_mem>>
      %dma_start3A_481 = tpu.memref_squeeze %dma_start3A_480 : memref<1x!tpu.dma_semaphore, #tpu.memory_space<semaphore_mem>> -> memref<!tpu.dma_semaphore, #tpu.memory_space<semaphore_mem>>
      tpu.enqueue_indirect_dma source(%dma_start3A_479 : memref<32768x768xf32, #tpu.memory_space<hbm>>) target(%dma_start3A_475 : memref<32x768xf32, #tpu.memory_space<vmem>>) offsets(%dma_start3A_476 : memref<32xi32, #tpu.memory_space<vmem>>) semaphore(%dma_start3A_481 : memref<!tpu.dma_semaphore, #tpu.memory_space<semaphore_mem>>)
      %sub3A_482 = arith.constant 2 : i32
      %sub3A_483 = arith.subi %add3A_446, %sub3A_482 : i32
      %mul3A_484 = arith.constant 32 : i32
      %mul3A_485 = arith.muli %sub3A_483, %mul3A_484 : i32
      %dma_wait3A_486 = arith.constant 0 : i32
      %dma_wait3A_487 = arith.constant 0 : i32
      %dma_wait3A_488 = arith.constant 0 : i32
      %dma_wait3A_489 = arith.constant 0 : i32
      %dma_wait3A_490 = tpu.memref_slice %arg9[%dma_wait3A_486, %dma_wait3A_488, %dma_wait3A_489] : memref<4x32x768xf32, #tpu.memory_space<vmem>> -> memref<1x32x768xf32, #tpu.memory_space<vmem>>
      %dma_wait3A_491 = tpu.memref_squeeze %dma_wait3A_490 : memref<1x32x768xf32, #tpu.memory_space<vmem>> -> memref<32x768xf32, #tpu.memory_space<vmem>>
      %dma_wait3A_492 = tpu.memref_slice %arg8[%mul3A_485] : memref<4096xi32, #tpu.memory_space<vmem>> -> memref<32xi32, #tpu.memory_space<vmem>>
      %dma_wait3A_493 = arith.constant 0 : i32
      %dma_wait3A_494 = arith.constant 0 : i32
      %dma_wait3A_495 = tpu.memref_slice %arg2[%dma_wait3A_493, %dma_wait3A_494] : memref<32768x768xf32, #tpu.memory_space<hbm>> -> memref<32768x768xf32, #tpu.memory_space<hbm>>
      %dma_wait3A_496 = tpu.memref_slice %arg10[%dma_wait3A_487] : memref<4x!tpu.dma_semaphore, #tpu.memory_space<semaphore_mem>> -> memref<1x!tpu.dma_semaphore, #tpu.memory_space<semaphore_mem>>
      %dma_wait3A_497 = tpu.memref_squeeze %dma_wait3A_496 : memref<1x!tpu.dma_semaphore, #tpu.memory_space<semaphore_mem>> -> memref<!tpu.dma_semaphore, #tpu.memory_space<semaphore_mem>>
      tpu.wait_indirect_dma semaphore(%dma_wait3A_497 : memref<!tpu.dma_semaphore, #tpu.memory_space<semaphore_mem>>) src(%dma_wait3A_495 : memref<32768x768xf32, #tpu.memory_space<hbm>>) dst(%dma_wait3A_491 : memref<32x768xf32, #tpu.memory_space<vmem>>)
      %sub3A_498 = arith.constant 2 : i32
      %sub3A_499 = arith.subi %add3A_446, %sub3A_498 : i32
      %mul3A_500 = arith.constant 32 : i32
      %mul3A_501 = arith.muli %sub3A_499, %mul3A_500 : i32
      %add3A_502 = arith.addi %mul3A_18, %mul3A_501 : i32
      %dma_start3A_503 = arith.constant 0 : i32
      %dma_start3A_504 = arith.constant 0 : i32
      %dma_start3A_505 = arith.constant 0 : i32
      %dma_start3A_506 = arith.constant 0 : i32
      %dma_start3A_507 = tpu.memref_slice %arg9[%dma_start3A_503, %dma_start3A_505, %dma_start3A_506] : memref<4x32x768xf32, #tpu.memory_space<vmem>> -> memref<1x32x768xf32, #tpu.memory_space<vmem>>
      %dma_start3A_508 = tpu.memref_squeeze %dma_start3A_507 : memref<1x32x768xf32, #tpu.memory_space<vmem>> -> memref<32x768xf32, #tpu.memory_space<vmem>>
      %dma_start3A_509 = arith.constant 0 : i32
      %dma_start3A_510 = tpu.memref_slice %arg5[%add3A_502, %dma_start3A_509] : memref<131072x768xf32, #tpu.memory_space<hbm>> -> memref<32x768xf32, #tpu.memory_space<hbm>>
      %dma_start3A_511 = tpu.memref_slice %arg11[%dma_start3A_504] : memref<4x!tpu.dma_semaphore, #tpu.memory_space<semaphore_mem>> -> memref<1x!tpu.dma_semaphore, #tpu.memory_space<semaphore_mem>>
      %dma_start3A_512 = tpu.memref_squeeze %dma_start3A_511 : memref<1x!tpu.dma_semaphore, #tpu.memory_space<semaphore_mem>> -> memref<!tpu.dma_semaphore, #tpu.memory_space<semaphore_mem>>
      %dma_start3A_513 = arith.constant 0 : i32
      %dma_start3A_514 = tpu.memref_slice %arg5[%add3A_502, %dma_start3A_513] : memref<131072x768xf32, #tpu.memory_space<hbm>> -> memref<32x768xf32, #tpu.memory_space<hbm>>
      %dma_start3A_515 = arith.constant 0 : i32
      %dma_start3A_516 = arith.constant 0 : i32
      %dma_start3A_517 = tpu.memref_slice %arg9[%dma_start3A_503, %dma_start3A_515, %dma_start3A_516] : memref<4x32x768xf32, #tpu.memory_space<vmem>> -> memref<1x32x768xf32, #tpu.memory_space<vmem>>
      %dma_start3A_518 = tpu.memref_squeeze %dma_start3A_517 : memref<1x32x768xf32, #tpu.memory_space<vmem>> -> memref<32x768xf32, #tpu.memory_space<vmem>>
      tpu.enqueue_dma source(%dma_start3A_518 : memref<32x768xf32, #tpu.memory_space<vmem>>) target(%dma_start3A_514 : memref<32x768xf32, #tpu.memory_space<hbm>>) target_semaphore(%dma_start3A_512 : memref<!tpu.dma_semaphore, #tpu.memory_space<semaphore_mem>>)
      %mul3A_519 = arith.constant 4 : i32
      %mul3A_520 = arith.muli %scan3A_290, %mul3A_519 : i32
      %add3A_521 = arith.constant 3 : i32
      %add3A_522 = arith.addi %mul3A_520, %add3A_521 : i32
      %sub3A_523 = arith.constant 4 : i32
      %sub3A_524 = arith.subi %add3A_522, %sub3A_523 : i32
      %mul3A_525 = arith.constant 32 : i32
      %mul3A_526 = arith.muli %sub3A_524, %mul3A_525 : i32
      %add3A_527 = arith.addi %mul3A_18, %mul3A_526 : i32
      %dma_wait3A_528 = arith.constant 3 : i32
      %dma_wait3A_529 = arith.constant 3 : i32
      %dma_wait3A_530 = arith.constant 0 : i32
      %dma_wait3A_531 = arith.constant 0 : i32
      %dma_wait3A_532 = tpu.memref_slice %arg9[%dma_wait3A_528, %dma_wait3A_530, %dma_wait3A_531] : memref<4x32x768xf32, #tpu.memory_space<vmem>> -> memref<1x32x768xf32, #tpu.memory_space<vmem>>
      %dma_wait3A_533 = tpu.memref_squeeze %dma_wait3A_532 : memref<1x32x768xf32, #tpu.memory_space<vmem>> -> memref<32x768xf32, #tpu.memory_space<vmem>>
      %dma_wait3A_534 = arith.constant 0 : i32
      %dma_wait3A_535 = tpu.memref_slice %arg5[%add3A_527, %dma_wait3A_534] : memref<131072x768xf32, #tpu.memory_space<hbm>> -> memref<32x768xf32, #tpu.memory_space<hbm>>
      %dma_wait3A_536 = tpu.memref_slice %arg11[%dma_wait3A_529] : memref<4x!tpu.dma_semaphore, #tpu.memory_space<semaphore_mem>> -> memref<1x!tpu.dma_semaphore, #tpu.memory_space<semaphore_mem>>
      %dma_wait3A_537 = tpu.memref_squeeze %dma_wait3A_536 : memref<1x!tpu.dma_semaphore, #tpu.memory_space<semaphore_mem>> -> memref<!tpu.dma_semaphore, #tpu.memory_space<semaphore_mem>>
      %dma_wait3A_538 = arith.constant 0 : i32
      %dma_wait3A_539 = tpu.memref_slice %arg5[%add3A_527, %dma_wait3A_538] : memref<131072x768xf32, #tpu.memory_space<hbm>> -> memref<32x768xf32, #tpu.memory_space<hbm>>
      %dma_wait3A_540 = arith.constant 0 : i32
      %dma_wait3A_541 = arith.constant 0 : i32
      %dma_wait3A_542 = tpu.memref_slice %arg9[%dma_wait3A_528, %dma_wait3A_540, %dma_wait3A_541] : memref<4x32x768xf32, #tpu.memory_space<vmem>> -> memref<1x32x768xf32, #tpu.memory_space<vmem>>
      %dma_wait3A_543 = tpu.memref_squeeze %dma_wait3A_542 : memref<1x32x768xf32, #tpu.memory_space<vmem>> -> memref<32x768xf32, #tpu.memory_space<vmem>>
      tpu.wait_dma2 semaphore(%dma_wait3A_537 : memref<!tpu.dma_semaphore, #tpu.memory_space<semaphore_mem>>) src(%dma_wait3A_543 : memref<32x768xf32, #tpu.memory_space<vmem>>) dst(%dma_wait3A_539 : memref<32x768xf32, #tpu.memory_space<hbm>>)
      %mul3A_544 = arith.constant 32 : i32
      %mul3A_545 = arith.muli %add3A_522, %mul3A_544 : i32
      %dma_start3A_546 = arith.constant 3 : i32
      %dma_start3A_547 = arith.constant 3 : i32
      %dma_start3A_548 = arith.constant 0 : i32
      %dma_start3A_549 = arith.constant 0 : i32
      %dma_start3A_550 = tpu.memref_slice %arg9[%dma_start3A_546, %dma_start3A_548, %dma_start3A_549] : memref<4x32x768xf32, #tpu.memory_space<vmem>> -> memref<1x32x768xf32, #tpu.memory_space<vmem>>
      %dma_start3A_551 = tpu.memref_squeeze %dma_start3A_550 : memref<1x32x768xf32, #tpu.memory_space<vmem>> -> memref<32x768xf32, #tpu.memory_space<vmem>>
      %dma_start3A_552 = tpu.memref_slice %arg8[%mul3A_545] : memref<4096xi32, #tpu.memory_space<vmem>> -> memref<32xi32, #tpu.memory_space<vmem>>
      %dma_start3A_553 = arith.constant 0 : i32
      %dma_start3A_554 = arith.constant 0 : i32
      %dma_start3A_555 = tpu.memref_slice %arg2[%dma_start3A_553, %dma_start3A_554] : memref<32768x768xf32, #tpu.memory_space<hbm>> -> memref<32768x768xf32, #tpu.memory_space<hbm>>
      %dma_start3A_556 = tpu.memref_slice %arg10[%dma_start3A_547] : memref<4x!tpu.dma_semaphore, #tpu.memory_space<semaphore_mem>> -> memref<1x!tpu.dma_semaphore, #tpu.memory_space<semaphore_mem>>
      %dma_start3A_557 = tpu.memref_squeeze %dma_start3A_556 : memref<1x!tpu.dma_semaphore, #tpu.memory_space<semaphore_mem>> -> memref<!tpu.dma_semaphore, #tpu.memory_space<semaphore_mem>>
      tpu.enqueue_indirect_dma source(%dma_start3A_555 : memref<32768x768xf32, #tpu.memory_space<hbm>>) target(%dma_start3A_551 : memref<32x768xf32, #tpu.memory_space<vmem>>) offsets(%dma_start3A_552 : memref<32xi32, #tpu.memory_space<vmem>>) semaphore(%dma_start3A_557 : memref<!tpu.dma_semaphore, #tpu.memory_space<semaphore_mem>>)
      %sub3A_558 = arith.constant 2 : i32
      %sub3A_559 = arith.subi %add3A_522, %sub3A_558 : i32
      %mul3A_560 = arith.constant 32 : i32
      %mul3A_561 = arith.muli %sub3A_559, %mul3A_560 : i32
      %dma_wait3A_562 = arith.constant 1 : i32
      %dma_wait3A_563 = arith.constant 1 : i32
      %dma_wait3A_564 = arith.constant 0 : i32
      %dma_wait3A_565 = arith.constant 0 : i32
      %dma_wait3A_566 = tpu.memref_slice %arg9[%dma_wait3A_562, %dma_wait3A_564, %dma_wait3A_565] : memref<4x32x768xf32, #tpu.memory_space<vmem>> -> memref<1x32x768xf32, #tpu.memory_space<vmem>>
      %dma_wait3A_567 = tpu.memref_squeeze %dma_wait3A_566 : memref<1x32x768xf32, #tpu.memory_space<vmem>> -> memref<32x768xf32, #tpu.memory_space<vmem>>
      %dma_wait3A_568 = tpu.memref_slice %arg8[%mul3A_561] : memref<4096xi32, #tpu.memory_space<vmem>> -> memref<32xi32, #tpu.memory_space<vmem>>
      %dma_wait3A_569 = arith.constant 0 : i32
      %dma_wait3A_570 = arith.constant 0 : i32
      %dma_wait3A_571 = tpu.memref_slice %arg2[%dma_wait3A_569, %dma_wait3A_570] : memref<32768x768xf32, #tpu.memory_space<hbm>> -> memref<32768x768xf32, #tpu.memory_space<hbm>>
      %dma_wait3A_572 = tpu.memref_slice %arg10[%dma_wait3A_563] : memref<4x!tpu.dma_semaphore, #tpu.memory_space<semaphore_mem>> -> memref<1x!tpu.dma_semaphore, #tpu.memory_space<semaphore_mem>>
      %dma_wait3A_573 = tpu.memref_squeeze %dma_wait3A_572 : memref<1x!tpu.dma_semaphore, #tpu.memory_space<semaphore_mem>> -> memref<!tpu.dma_semaphore, #tpu.memory_space<semaphore_mem>>
      tpu.wait_indirect_dma semaphore(%dma_wait3A_573 : memref<!tpu.dma_semaphore, #tpu.memory_space<semaphore_mem>>) src(%dma_wait3A_571 : memref<32768x768xf32, #tpu.memory_space<hbm>>) dst(%dma_wait3A_567 : memref<32x768xf32, #tpu.memory_space<vmem>>)
      %sub3A_574 = arith.constant 2 : i32
      %sub3A_575 = arith.subi %add3A_522, %sub3A_574 : i32
      %mul3A_576 = arith.constant 32 : i32
      %mul3A_577 = arith.muli %sub3A_575, %mul3A_576 : i32
      %add3A_578 = arith.addi %mul3A_18, %mul3A_577 : i32
      %dma_start3A_579 = arith.constant 1 : i32
      %dma_start3A_580 = arith.constant 1 : i32
      %dma_start3A_581 = arith.constant 0 : i32
      %dma_start3A_582 = arith.constant 0 : i32
      %dma_start3A_583 = tpu.memref_slice %arg9[%dma_start3A_579, %dma_start3A_581, %dma_start3A_582] : memref<4x32x768xf32, #tpu.memory_space<vmem>> -> memref<1x32x768xf32, #tpu.memory_space<vmem>>
      %dma_start3A_584 = tpu.memref_squeeze %dma_start3A_583 : memref<1x32x768xf32, #tpu.memory_space<vmem>> -> memref<32x768xf32, #tpu.memory_space<vmem>>
      %dma_start3A_585 = arith.constant 0 : i32
      %dma_start3A_586 = tpu.memref_slice %arg5[%add3A_578, %dma_start3A_585] : memref<131072x768xf32, #tpu.memory_space<hbm>> -> memref<32x768xf32, #tpu.memory_space<hbm>>
      %dma_start3A_587 = tpu.memref_slice %arg11[%dma_start3A_580] : memref<4x!tpu.dma_semaphore, #tpu.memory_space<semaphore_mem>> -> memref<1x!tpu.dma_semaphore, #tpu.memory_space<semaphore_mem>>
      %dma_start3A_588 = tpu.memref_squeeze %dma_start3A_587 : memref<1x!tpu.dma_semaphore, #tpu.memory_space<semaphore_mem>> -> memref<!tpu.dma_semaphore, #tpu.memory_space<semaphore_mem>>
      %dma_start3A_589 = arith.constant 0 : i32
      %dma_start3A_590 = tpu.memref_slice %arg5[%add3A_578, %dma_start3A_589] : memref<131072x768xf32, #tpu.memory_space<hbm>> -> memref<32x768xf32, #tpu.memory_space<hbm>>
      %dma_start3A_591 = arith.constant 0 : i32
      %dma_start3A_592 = arith.constant 0 : i32
      %dma_start3A_593 = tpu.memref_slice %arg9[%dma_start3A_579, %dma_start3A_591, %dma_start3A_592] : memref<4x32x768xf32, #tpu.memory_space<vmem>> -> memref<1x32x768xf32, #tpu.memory_space<vmem>>
      %dma_start3A_594 = tpu.memref_squeeze %dma_start3A_593 : memref<1x32x768xf32, #tpu.memory_space<vmem>> -> memref<32x768xf32, #tpu.memory_space<vmem>>
      tpu.enqueue_dma source(%dma_start3A_594 : memref<32x768xf32, #tpu.memory_space<vmem>>) target(%dma_start3A_590 : memref<32x768xf32, #tpu.memory_space<hbm>>) target_semaphore(%dma_start3A_588 : memref<!tpu.dma_semaphore, #tpu.memory_space<semaphore_mem>>)
    }
    %scan3A_155 = arith.constant 31 : i32
    %dma_wait3A_156 = arith.constant 2 : i32
    %dma_wait3A_157 = arith.constant 2 : i32
    %dma_wait3A_158 = arith.constant 0 : i32
    %dma_wait3A_159 = arith.constant 0 : i32
    %dma_wait3A_160 = tpu.memref_slice %arg9[%dma_wait3A_156, %dma_wait3A_158, %dma_wait3A_159] : memref<4x32x768xf32, #tpu.memory_space<vmem>> -> memref<1x32x768xf32, #tpu.memory_space<vmem>>
    %dma_wait3A_161 = tpu.memref_squeeze %dma_wait3A_160 : memref<1x32x768xf32, #tpu.memory_space<vmem>> -> memref<32x768xf32, #tpu.memory_space<vmem>>
    %dma_wait3A_162 = arith.constant 4032 : i32
    %dma_wait3A_163 = tpu.memref_slice %arg8[%dma_wait3A_162] : memref<4096xi32, #tpu.memory_space<vmem>> -> memref<32xi32, #tpu.memory_space<vmem>>
    %dma_wait3A_164 = arith.constant 0 : i32
    %dma_wait3A_165 = arith.constant 0 : i32
    %dma_wait3A_166 = tpu.memref_slice %arg2[%dma_wait3A_164, %dma_wait3A_165] : memref<32768x768xf32, #tpu.memory_space<hbm>> -> memref<32768x768xf32, #tpu.memory_space<hbm>>
    %dma_wait3A_167 = tpu.memref_slice %arg10[%dma_wait3A_157] : memref<4x!tpu.dma_semaphore, #tpu.memory_space<semaphore_mem>> -> memref<1x!tpu.dma_semaphore, #tpu.memory_space<semaphore_mem>>
    %dma_wait3A_168 = tpu.memref_squeeze %dma_wait3A_167 : memref<1x!tpu.dma_semaphore, #tpu.memory_space<semaphore_mem>> -> memref<!tpu.dma_semaphore, #tpu.memory_space<semaphore_mem>>
    tpu.wait_indirect_dma semaphore(%dma_wait3A_168 : memref<!tpu.dma_semaphore, #tpu.memory_space<semaphore_mem>>) src(%dma_wait3A_166 : memref<32768x768xf32, #tpu.memory_space<hbm>>) dst(%dma_wait3A_161 : memref<32x768xf32, #tpu.memory_space<vmem>>)
    %add3A_169 = arith.constant 4032 : i32
    %add3A_170 = arith.addi %mul3A_18, %add3A_169 : i32
    %dma_start3A_171 = arith.constant 2 : i32
    %dma_start3A_172 = arith.constant 2 : i32
    %dma_start3A_173 = arith.constant 0 : i32
    %dma_start3A_174 = arith.constant 0 : i32
    %dma_start3A_175 = tpu.memref_slice %arg9[%dma_start3A_171, %dma_start3A_173, %dma_start3A_174] : memref<4x32x768xf32, #tpu.memory_space<vmem>> -> memref<1x32x768xf32, #tpu.memory_space<vmem>>
    %dma_start3A_176 = tpu.memref_squeeze %dma_start3A_175 : memref<1x32x768xf32, #tpu.memory_space<vmem>> -> memref<32x768xf32, #tpu.memory_space<vmem>>
    %dma_start3A_177 = arith.constant 0 : i32
    %dma_start3A_178 = tpu.memref_slice %arg5[%add3A_170, %dma_start3A_177] : memref<131072x768xf32, #tpu.memory_space<hbm>> -> memref<32x768xf32, #tpu.memory_space<hbm>>
    %dma_start3A_179 = tpu.memref_slice %arg11[%dma_start3A_172] : memref<4x!tpu.dma_semaphore, #tpu.memory_space<semaphore_mem>> -> memref<1x!tpu.dma_semaphore, #tpu.memory_space<semaphore_mem>>
    %dma_start3A_180 = tpu.memref_squeeze %dma_start3A_179 : memref<1x!tpu.dma_semaphore, #tpu.memory_space<semaphore_mem>> -> memref<!tpu.dma_semaphore, #tpu.memory_space<semaphore_mem>>
    %dma_start3A_181 = arith.constant 0 : i32
    %dma_start3A_182 = tpu.memref_slice %arg5[%add3A_170, %dma_start3A_181] : memref<131072x768xf32, #tpu.memory_space<hbm>> -> memref<32x768xf32, #tpu.memory_space<hbm>>
    %dma_start3A_183 = arith.constant 0 : i32
    %dma_start3A_184 = arith.constant 0 : i32
    %dma_start3A_185 = tpu.memref_slice %arg9[%dma_start3A_171, %dma_start3A_183, %dma_start3A_184] : memref<4x32x768xf32, #tpu.memory_space<vmem>> -> memref<1x32x768xf32, #tpu.memory_space<vmem>>
    %dma_start3A_186 = tpu.memref_squeeze %dma_start3A_185 : memref<1x32x768xf32, #tpu.memory_space<vmem>> -> memref<32x768xf32, #tpu.memory_space<vmem>>
    tpu.enqueue_dma source(%dma_start3A_186 : memref<32x768xf32, #tpu.memory_space<vmem>>) target(%dma_start3A_182 : memref<32x768xf32, #tpu.memory_space<hbm>>) target_semaphore(%dma_start3A_180 : memref<!tpu.dma_semaphore, #tpu.memory_space<semaphore_mem>>)
    %dma_wait3A_187 = arith.constant 3 : i32
    %dma_wait3A_188 = arith.constant 3 : i32
    %dma_wait3A_189 = arith.constant 0 : i32
    %dma_wait3A_190 = arith.constant 0 : i32
    %dma_wait3A_191 = tpu.memref_slice %arg9[%dma_wait3A_187, %dma_wait3A_189, %dma_wait3A_190] : memref<4x32x768xf32, #tpu.memory_space<vmem>> -> memref<1x32x768xf32, #tpu.memory_space<vmem>>
    %dma_wait3A_192 = tpu.memref_squeeze %dma_wait3A_191 : memref<1x32x768xf32, #tpu.memory_space<vmem>> -> memref<32x768xf32, #tpu.memory_space<vmem>>
    %dma_wait3A_193 = arith.constant 4064 : i32
    %dma_wait3A_194 = tpu.memref_slice %arg8[%dma_wait3A_193] : memref<4096xi32, #tpu.memory_space<vmem>> -> memref<32xi32, #tpu.memory_space<vmem>>
    %dma_wait3A_195 = arith.constant 0 : i32
    %dma_wait3A_196 = arith.constant 0 : i32
    %dma_wait3A_197 = tpu.memref_slice %arg2[%dma_wait3A_195, %dma_wait3A_196] : memref<32768x768xf32, #tpu.memory_space<hbm>> -> memref<32768x768xf32, #tpu.memory_space<hbm>>
    %dma_wait3A_198 = tpu.memref_slice %arg10[%dma_wait3A_188] : memref<4x!tpu.dma_semaphore, #tpu.memory_space<semaphore_mem>> -> memref<1x!tpu.dma_semaphore, #tpu.memory_space<semaphore_mem>>
    %dma_wait3A_199 = tpu.memref_squeeze %dma_wait3A_198 : memref<1x!tpu.dma_semaphore, #tpu.memory_space<semaphore_mem>> -> memref<!tpu.dma_semaphore, #tpu.memory_space<semaphore_mem>>
    tpu.wait_indirect_dma semaphore(%dma_wait3A_199 : memref<!tpu.dma_semaphore, #tpu.memory_space<semaphore_mem>>) src(%dma_wait3A_197 : memref<32768x768xf32, #tpu.memory_space<hbm>>) dst(%dma_wait3A_192 : memref<32x768xf32, #tpu.memory_space<vmem>>)
    %add3A_200 = arith.constant 4064 : i32
    %add3A_201 = arith.addi %mul3A_18, %add3A_200 : i32
    %dma_start3A_202 = arith.constant 3 : i32
    %dma_start3A_203 = arith.constant 3 : i32
    %dma_start3A_204 = arith.constant 0 : i32
    %dma_start3A_205 = arith.constant 0 : i32
    %dma_start3A_206 = tpu.memref_slice %arg9[%dma_start3A_202, %dma_start3A_204, %dma_start3A_205] : memref<4x32x768xf32, #tpu.memory_space<vmem>> -> memref<1x32x768xf32, #tpu.memory_space<vmem>>
    %dma_start3A_207 = tpu.memref_squeeze %dma_start3A_206 : memref<1x32x768xf32, #tpu.memory_space<vmem>> -> memref<32x768xf32, #tpu.memory_space<vmem>>
    %dma_start3A_208 = arith.constant 0 : i32
    %dma_start3A_209 = tpu.memref_slice %arg5[%add3A_201, %dma_start3A_208] : memref<131072x768xf32, #tpu.memory_space<hbm>> -> memref<32x768xf32, #tpu.memory_space<hbm>>
    %dma_start3A_210 = tpu.memref_slice %arg11[%dma_start3A_203] : memref<4x!tpu.dma_semaphore, #tpu.memory_space<semaphore_mem>> -> memref<1x!tpu.dma_semaphore, #tpu.memory_space<semaphore_mem>>
    %dma_start3A_211 = tpu.memref_squeeze %dma_start3A_210 : memref<1x!tpu.dma_semaphore, #tpu.memory_space<semaphore_mem>> -> memref<!tpu.dma_semaphore, #tpu.memory_space<semaphore_mem>>
    %dma_start3A_212 = arith.constant 0 : i32
    %dma_start3A_213 = tpu.memref_slice %arg5[%add3A_201, %dma_start3A_212] : memref<131072x768xf32, #tpu.memory_space<hbm>> -> memref<32x768xf32, #tpu.memory_space<hbm>>
    %dma_start3A_214 = arith.constant 0 : i32
    %dma_start3A_215 = arith.constant 0 : i32
    %dma_start3A_216 = tpu.memref_slice %arg9[%dma_start3A_202, %dma_start3A_214, %dma_start3A_215] : memref<4x32x768xf32, #tpu.memory_space<vmem>> -> memref<1x32x768xf32, #tpu.memory_space<vmem>>
    %dma_start3A_217 = tpu.memref_squeeze %dma_start3A_216 : memref<1x32x768xf32, #tpu.memory_space<vmem>> -> memref<32x768xf32, #tpu.memory_space<vmem>>
    tpu.enqueue_dma source(%dma_start3A_217 : memref<32x768xf32, #tpu.memory_space<vmem>>) target(%dma_start3A_213 : memref<32x768xf32, #tpu.memory_space<hbm>>) target_semaphore(%dma_start3A_211 : memref<!tpu.dma_semaphore, #tpu.memory_space<semaphore_mem>>)
    %add3A_218 = arith.constant 3968 : i32
    %add3A_219 = arith.addi %mul3A_18, %add3A_218 : i32
    %dma_wait3A_220 = arith.constant 0 : i32
    %dma_wait3A_221 = arith.constant 0 : i32
    %dma_wait3A_222 = arith.constant 0 : i32
    %dma_wait3A_223 = arith.constant 0 : i32
    %dma_wait3A_224 = tpu.memref_slice %arg9[%dma_wait3A_220, %dma_wait3A_222, %dma_wait3A_223] : memref<4x32x768xf32, #tpu.memory_space<vmem>> -> memref<1x32x768xf32, #tpu.memory_space<vmem>>
    %dma_wait3A_225 = tpu.memref_squeeze %dma_wait3A_224 : memref<1x32x768xf32, #tpu.memory_space<vmem>> -> memref<32x768xf32, #tpu.memory_space<vmem>>
    %dma_wait3A_226 = arith.constant 0 : i32
    %dma_wait3A_227 = tpu.memref_slice %arg5[%add3A_219, %dma_wait3A_226] : memref<131072x768xf32, #tpu.memory_space<hbm>> -> memref<32x768xf32, #tpu.memory_space<hbm>>
    %dma_wait3A_228 = tpu.memref_slice %arg11[%dma_wait3A_221] : memref<4x!tpu.dma_semaphore, #tpu.memory_space<semaphore_mem>> -> memref<1x!tpu.dma_semaphore, #tpu.memory_space<semaphore_mem>>
    %dma_wait3A_229 = tpu.memref_squeeze %dma_wait3A_228 : memref<1x!tpu.dma_semaphore, #tpu.memory_space<semaphore_mem>> -> memref<!tpu.dma_semaphore, #tpu.memory_space<semaphore_mem>>
    %dma_wait3A_230 = arith.constant 0 : i32
    %dma_wait3A_231 = tpu.memref_slice %arg5[%add3A_219, %dma_wait3A_230] : memref<131072x768xf32, #tpu.memory_space<hbm>> -> memref<32x768xf32, #tpu.memory_space<hbm>>
    %dma_wait3A_232 = arith.constant 0 : i32
    %dma_wait3A_233 = arith.constant 0 : i32
    %dma_wait3A_234 = tpu.memref_slice %arg9[%dma_wait3A_220, %dma_wait3A_232, %dma_wait3A_233] : memref<4x32x768xf32, #tpu.memory_space<vmem>> -> memref<1x32x768xf32, #tpu.memory_space<vmem>>
    %dma_wait3A_235 = tpu.memref_squeeze %dma_wait3A_234 : memref<1x32x768xf32, #tpu.memory_space<vmem>> -> memref<32x768xf32, #tpu.memory_space<vmem>>
    tpu.wait_dma2 semaphore(%dma_wait3A_229 : memref<!tpu.dma_semaphore, #tpu.memory_space<semaphore_mem>>) src(%dma_wait3A_235 : memref<32x768xf32, #tpu.memory_space<vmem>>) dst(%dma_wait3A_231 : memref<32x768xf32, #tpu.memory_space<hbm>>)
    %add3A_236 = arith.constant 4000 : i32
    %add3A_237 = arith.addi %mul3A_18, %add3A_236 : i32
    %dma_wait3A_238 = arith.constant 1 : i32
    %dma_wait3A_239 = arith.constant 1 : i32
    %dma_wait3A_240 = arith.constant 0 : i32
    %dma_wait3A_241 = arith.constant 0 : i32
    %dma_wait3A_242 = tpu.memref_slice %arg9[%dma_wait3A_238, %dma_wait3A_240, %dma_wait3A_241] : memref<4x32x768xf32, #tpu.memory_space<vmem>> -> memref<1x32x768xf32, #tpu.memory_space<vmem>>
    %dma_wait3A_243 = tpu.memref_squeeze %dma_wait3A_242 : memref<1x32x768xf32, #tpu.memory_space<vmem>> -> memref<32x768xf32, #tpu.memory_space<vmem>>
    %dma_wait3A_244 = arith.constant 0 : i32
    %dma_wait3A_245 = tpu.memref_slice %arg5[%add3A_237, %dma_wait3A_244] : memref<131072x768xf32, #tpu.memory_space<hbm>> -> memref<32x768xf32, #tpu.memory_space<hbm>>
    %dma_wait3A_246 = tpu.memref_slice %arg11[%dma_wait3A_239] : memref<4x!tpu.dma_semaphore, #tpu.memory_space<semaphore_mem>> -> memref<1x!tpu.dma_semaphore, #tpu.memory_space<semaphore_mem>>
    %dma_wait3A_247 = tpu.memref_squeeze %dma_wait3A_246 : memref<1x!tpu.dma_semaphore, #tpu.memory_space<semaphore_mem>> -> memref<!tpu.dma_semaphore, #tpu.memory_space<semaphore_mem>>
    %dma_wait3A_248 = arith.constant 0 : i32
    %dma_wait3A_249 = tpu.memref_slice %arg5[%add3A_237, %dma_wait3A_248] : memref<131072x768xf32, #tpu.memory_space<hbm>> -> memref<32x768xf32, #tpu.memory_space<hbm>>
    %dma_wait3A_250 = arith.constant 0 : i32
    %dma_wait3A_251 = arith.constant 0 : i32
    %dma_wait3A_252 = tpu.memref_slice %arg9[%dma_wait3A_238, %dma_wait3A_250, %dma_wait3A_251] : memref<4x32x768xf32, #tpu.memory_space<vmem>> -> memref<1x32x768xf32, #tpu.memory_space<vmem>>
    %dma_wait3A_253 = tpu.memref_squeeze %dma_wait3A_252 : memref<1x32x768xf32, #tpu.memory_space<vmem>> -> memref<32x768xf32, #tpu.memory_space<vmem>>
    tpu.wait_dma2 semaphore(%dma_wait3A_247 : memref<!tpu.dma_semaphore, #tpu.memory_space<semaphore_mem>>) src(%dma_wait3A_253 : memref<32x768xf32, #tpu.memory_space<vmem>>) dst(%dma_wait3A_249 : memref<32x768xf32, #tpu.memory_space<hbm>>)
    %add3A_254 = arith.constant 4032 : i32
    %add3A_255 = arith.addi %mul3A_18, %add3A_254 : i32
    %dma_wait3A_256 = arith.constant 2 : i32
    %dma_wait3A_257 = arith.constant 2 : i32
    %dma_wait3A_258 = arith.constant 0 : i32
    %dma_wait3A_259 = arith.constant 0 : i32
    %dma_wait3A_260 = tpu.memref_slice %arg9[%dma_wait3A_256, %dma_wait3A_258, %dma_wait3A_259] : memref<4x32x768xf32, #tpu.memory_space<vmem>> -> memref<1x32x768xf32, #tpu.memory_space<vmem>>
    %dma_wait3A_261 = tpu.memref_squeeze %dma_wait3A_260 : memref<1x32x768xf32, #tpu.memory_space<vmem>> -> memref<32x768xf32, #tpu.memory_space<vmem>>
    %dma_wait3A_262 = arith.constant 0 : i32
    %dma_wait3A_263 = tpu.memref_slice %arg5[%add3A_255, %dma_wait3A_262] : memref<131072x768xf32, #tpu.memory_space<hbm>> -> memref<32x768xf32, #tpu.memory_space<hbm>>
    %dma_wait3A_264 = tpu.memref_slice %arg11[%dma_wait3A_257] : memref<4x!tpu.dma_semaphore, #tpu.memory_space<semaphore_mem>> -> memref<1x!tpu.dma_semaphore, #tpu.memory_space<semaphore_mem>>
    %dma_wait3A_265 = tpu.memref_squeeze %dma_wait3A_264 : memref<1x!tpu.dma_semaphore, #tpu.memory_space<semaphore_mem>> -> memref<!tpu.dma_semaphore, #tpu.memory_space<semaphore_mem>>
    %dma_wait3A_266 = arith.constant 0 : i32
    %dma_wait3A_267 = tpu.memref_slice %arg5[%add3A_255, %dma_wait3A_266] : memref<131072x768xf32, #tpu.memory_space<hbm>> -> memref<32x768xf32, #tpu.memory_space<hbm>>
    %dma_wait3A_268 = arith.constant 0 : i32
    %dma_wait3A_269 = arith.constant 0 : i32
    %dma_wait3A_270 = tpu.memref_slice %arg9[%dma_wait3A_256, %dma_wait3A_268, %dma_wait3A_269] : memref<4x32x768xf32, #tpu.memory_space<vmem>> -> memref<1x32x768xf32, #tpu.memory_space<vmem>>
    %dma_wait3A_271 = tpu.memref_squeeze %dma_wait3A_270 : memref<1x32x768xf32, #tpu.memory_space<vmem>> -> memref<32x768xf32, #tpu.memory_space<vmem>>
    tpu.wait_dma2 semaphore(%dma_wait3A_265 : memref<!tpu.dma_semaphore, #tpu.memory_space<semaphore_mem>>) src(%dma_wait3A_271 : memref<32x768xf32, #tpu.memory_space<vmem>>) dst(%dma_wait3A_267 : memref<32x768xf32, #tpu.memory_space<hbm>>)
    %add3A_272 = arith.constant 4064 : i32
    %add3A_273 = arith.addi %mul3A_18, %add3A_272 : i32
    %dma_wait3A_274 = arith.constant 3 : i32
    %dma_wait3A_275 = arith.constant 3 : i32
    %dma_wait3A_276 = arith.constant 0 : i32
    %dma_wait3A_277 = arith.constant 0 : i32
    %dma_wait3A_278 = tpu.memref_slice %arg9[%dma_wait3A_274, %dma_wait3A_276, %dma_wait3A_277] : memref<4x32x768xf32, #tpu.memory_space<vmem>> -> memref<1x32x768xf32, #tpu.memory_space<vmem>>
    %dma_wait3A_279 = tpu.memref_squeeze %dma_wait3A_278 : memref<1x32x768xf32, #tpu.memory_space<vmem>> -> memref<32x768xf32, #tpu.memory_space<vmem>>
    %dma_wait3A_280 = arith.constant 0 : i32
    %dma_wait3A_281 = tpu.memref_slice %arg5[%add3A_273, %dma_wait3A_280] : memref<131072x768xf32, #tpu.memory_space<hbm>> -> memref<32x768xf32, #tpu.memory_space<hbm>>
    %dma_wait3A_282 = tpu.memref_slice %arg11[%dma_wait3A_275] : memref<4x!tpu.dma_semaphore, #tpu.memory_space<semaphore_mem>> -> memref<1x!tpu.dma_semaphore, #tpu.memory_space<semaphore_mem>>
    %dma_wait3A_283 = tpu.memref_squeeze %dma_wait3A_282 : memref<1x!tpu.dma_semaphore, #tpu.memory_space<semaphore_mem>> -> memref<!tpu.dma_semaphore, #tpu.memory_space<semaphore_mem>>
    %dma_wait3A_284 = arith.constant 0 : i32
    %dma_wait3A_285 = tpu.memref_slice %arg5[%add3A_273, %dma_wait3A_284] : memref<131072x768xf32, #tpu.memory_space<hbm>> -> memref<32x768xf32, #tpu.memory_space<hbm>>
    %dma_wait3A_286 = arith.constant 0 : i32
    %dma_wait3A_287 = arith.constant 0 : i32
    %dma_wait3A_288 = tpu.memref_slice %arg9[%dma_wait3A_274, %dma_wait3A_286, %dma_wait3A_287] : memref<4x32x768xf32, #tpu.memory_space<vmem>> -> memref<1x32x768xf32, #tpu.memory_space<vmem>>
    %dma_wait3A_289 = tpu.memref_squeeze %dma_wait3A_288 : memref<1x32x768xf32, #tpu.memory_space<vmem>> -> memref<32x768xf32, #tpu.memory_space<vmem>>
    tpu.wait_dma2 semaphore(%dma_wait3A_283 : memref<!tpu.dma_semaphore, #tpu.memory_space<semaphore_mem>>) src(%dma_wait3A_289 : memref<32x768xf32, #tpu.memory_space<vmem>>) dst(%dma_wait3A_285 : memref<32x768xf32, #tpu.memory_space<hbm>>)
    return
  }
}

module attributes {stable_mosaic.version = 14 : i64} {
  func.func @_head_body(%arg0: i32, %arg1: memref<1x64xi32, #tpu.memory_space<vmem>>, %arg2: memref<16x128x768xf32, #tpu.memory_space<vmem>>, %arg3: memref<16x128xi32, #tpu.memory_space<vmem>>, %arg4: memref<16x768xf32, #tpu.memory_space<vmem>>, %arg5: memref<768x768xf32, #tpu.memory_space<vmem>>, %arg6: memref<64x768xf32, #tpu.memory_space<vmem>>, %arg7: memref<64x768xf32, #tpu.memory_space<vmem>>) attributes {dimension_semantics = [#tpu.dimension_semantics<arbitrary>], iteration_bounds = array<i64: 16>, scalar_prefetch = 0 : i64, scratch_operands = 1 : i64, tpu.core_type = #tpu.core_type<tc>, window_params = [{pipeline_mode = #tpu.pipeline_mode<synchronous>, transform_indices = @transform_0, window_bounds = array<i64: 1, 64>}, {transform_indices = @transform_1, window_bounds = array<i64: 16, 128, 768>}, {transform_indices = @transform_2, window_bounds = array<i64: 16, 128>}, {pipeline_mode = #tpu.pipeline_mode<synchronous>, transform_indices = @transform_3, window_bounds = array<i64: 16, 768>}, {pipeline_mode = #tpu.pipeline_mode<synchronous>, transform_indices = @transform_4, window_bounds = array<i64: 768, 768>}, {pipeline_mode = #tpu.pipeline_mode<synchronous>, transform_indices = @transform_5, window_bounds = array<i64: 64, 768>}]} {
    %get3A = arith.constant 0 : index
    %get3A_0 = arith.constant 0 : index
    %get3A_1 = vector.load %arg3[%get3A, %get3A_0] : memref<16x128xi32, #tpu.memory_space<vmem>>, vector<16x128xi32>
    %convert_element_type3A = arith.sitofp %get3A_1 : vector<16x128xi32> to vector<16x128xf32>
    %broadcast_in_dim3A = vector.shape_cast %convert_element_type3A : vector<16x128xf32> to vector<16x1x128xf32>
    %broadcast_in_dim3A_2 = vector.broadcast %broadcast_in_dim3A : vector<16x1x128xf32> to vector<16x4x128xf32>
    %reshape3A = vector.shape_cast %broadcast_in_dim3A_2 : vector<16x4x128xf32> to vector<64x128xf32>
    %sub3A = arith.constant 1.000000e+00 : f32
    %sub3A_3 = vector.broadcast %sub3A : f32 to vector<64x128xf32>
    %sub3A_4 = arith.subf %sub3A_3, %reshape3A : vector<64x128xf32>
    %get3A_5 = arith.constant 0 : index
    %get3A_6 = arith.constant 0 : index
    %get3A_7 = vector.load %arg1[%get3A_5, %get3A_6] : memref<1x64xi32, #tpu.memory_space<vmem>>, vector<1x64xi32>
    %get3A_8 = vector.shape_cast %get3A_7 : vector<1x64xi32> to vector<64xi32>
    %iota3A = tpu.iota {dimensions = array<i32: 0>} : vector<64x1xi32>
    %jit3A = arith.constant 4 : i32
    %div3A = vector.broadcast %jit3A : i32 to vector<64x1xi32>
    %div3A_9 = arith.divsi %iota3A, %div3A : vector<64x1xi32>
    %sign3A = arith.constant 0 : i32
    %sign3A_10 = vector.broadcast %sign3A : i32 to vector<64x1xi32>
    %sign3A_11 = arith.cmpi sgt, %iota3A, %sign3A_10 : vector<64x1xi32>
    %sign3A_12 = arith.extui %sign3A_11 : vector<64x1xi1> to vector<64x1xi32>
    %sign3A_13 = arith.constant 0 : i32
    %sign3A_14 = vector.broadcast %sign3A_13 : i32 to vector<64x1xi32>
    %sign3A_15 = arith.cmpi slt, %iota3A, %sign3A_14 : vector<64x1xi32>
    %sign3A_16 = arith.extui %sign3A_15 : vector<64x1xi1> to vector<64x1xi32>
    %sign3A_17 = arith.subi %sign3A_12, %sign3A_16 : vector<64x1xi32>
    %sign3A_18 = arith.constant 0 : i32
    %sign3A_19 = arith.cmpi sgt, %jit3A, %sign3A_18 : i32
    %sign3A_20 = arith.extui %sign3A_19 : i1 to i32
    %sign3A_21 = arith.constant 0 : i32
    %sign3A_22 = arith.cmpi slt, %jit3A, %sign3A_21 : i32
    %sign3A_23 = arith.extui %sign3A_22 : i1 to i32
    %sign3A_24 = arith.subi %sign3A_20, %sign3A_23 : i32
    %ne3A = vector.broadcast %sign3A_24 : i32 to vector<64x1xi32>
    %ne3A_25 = arith.cmpi ne, %sign3A_17, %ne3A : vector<64x1xi32>
    %rem3A = vector.broadcast %jit3A : i32 to vector<64x1xi32>
    %rem3A_26 = arith.remsi %iota3A, %rem3A : vector<64x1xi32>
    %ne3A_27 = arith.constant 0 : i32
    %ne3A_28 = vector.broadcast %ne3A_27 : i32 to vector<64x1xi32>
    %ne3A_29 = arith.cmpi ne, %rem3A_26, %ne3A_28 : vector<64x1xi32>
    %and3A = arith.andi %ne3A_25, %ne3A_29 : vector<64x1xi1>
    %sub3A_30 = arith.constant 1 : i32
    %sub3A_31 = vector.broadcast %sub3A_30 : i32 to vector<64x1xi32>
    %sub3A_32 = arith.subi %div3A_9, %sub3A_31 : vector<64x1xi32>
    %select_n3A = arith.select %and3A, %sub3A_32, %div3A_9 : vector<64x1xi1>, vector<64x1xi32>
    %broadcast_in_dim3A_33 = arith.constant 0.000000e+00 : f32
    %broadcast_in_dim3A_34 = vector.broadcast %broadcast_in_dim3A_33 : f32 to vector<64x768xf32>
    %eq3A = arith.constant 0 : i32
    %eq3A_35 = vector.broadcast %eq3A : i32 to vector<64x1xi32>
    %eq3A_36 = arith.cmpi eq, %select_n3A, %eq3A_35 : vector<64x1xi32>
    %convert_element_type3A_37 = arith.extui %eq3A_36 : vector<64x1xi1> to vector<64x1xi32>
    %convert_element_type3A_38 = arith.sitofp %convert_element_type3A_37 : vector<64x1xi32> to vector<64x1xf32>
    %eq3A_39 = arith.constant 0 : i32
    %eq3A_40 = vector.broadcast %eq3A_39 : i32 to vector<64xi32>
    %eq3A_41 = arith.cmpi eq, %get3A_8, %eq3A_40 : vector<64xi32>
    %convert_element_type3A_42 = arith.extui %eq3A_41 : vector<64xi1> to vector<64xi32>
    %convert_element_type3A_43 = arith.sitofp %convert_element_type3A_42 : vector<64xi32> to vector<64xf32>
    %broadcast_in_dim3A_44 = vector.shape_cast %convert_element_type3A_43 : vector<64xf32> to vector<64x1xf32>
    %mul3A = vector.broadcast %convert_element_type3A_38 : vector<64x1xf32> to vector<64x128xf32>
    %mul3A_45 = arith.mulf %reshape3A, %mul3A : vector<64x128xf32>
    %mul3A_46 = vector.broadcast %broadcast_in_dim3A_44 : vector<64x1xf32> to vector<64x128xf32>
    %mul3A_47 = arith.mulf %sub3A_4, %mul3A_46 : vector<64x128xf32>
    %add3A = arith.addf %mul3A_45, %mul3A_47 : vector<64x128xf32>
    %get3A_48 = arith.constant 0 : index
    %get3A_49 = arith.constant 0 : index
    %get3A_50 = arith.constant 0 : index
    %get3A_51 = vector.load %arg2[%get3A_48, %get3A_49, %get3A_50] : memref<16x128x768xf32, #tpu.memory_space<vmem>>, vector<1x128x768xf32>
    %get3A_52 = vector.shape_cast %get3A_51 : vector<1x128x768xf32> to vector<128x768xf32>
    %dot_general3A = arith.constant dense<0.000000e+00> : vector<64x768xf32>
    %dot_general3A_53 = tpu.matmul %add3A, %get3A_52, %dot_general3A {dimension_numbers = #tpu.dot_dimension_numbers<[1], [0], [0], [1], [0, 0, 1, 1], [], []>, transpose_lhs_hint = false} : vector<64x128xf32>, vector<128x768xf32>, vector<64x768xf32> -> vector<64x768xf32>
    %add3A_54 = arith.addf %broadcast_in_dim3A_34, %dot_general3A_53 : vector<64x768xf32>
    %eq3A_55 = arith.constant 1 : i32
    %eq3A_56 = vector.broadcast %eq3A_55 : i32 to vector<64x1xi32>
    %eq3A_57 = arith.cmpi eq, %select_n3A, %eq3A_56 : vector<64x1xi32>
    %convert_element_type3A_58 = arith.extui %eq3A_57 : vector<64x1xi1> to vector<64x1xi32>
    %convert_element_type3A_59 = arith.sitofp %convert_element_type3A_58 : vector<64x1xi32> to vector<64x1xf32>
    %eq3A_60 = arith.constant 1 : i32
    %eq3A_61 = vector.broadcast %eq3A_60 : i32 to vector<64xi32>
    %eq3A_62 = arith.cmpi eq, %get3A_8, %eq3A_61 : vector<64xi32>
    %convert_element_type3A_63 = arith.extui %eq3A_62 : vector<64xi1> to vector<64xi32>
    %convert_element_type3A_64 = arith.sitofp %convert_element_type3A_63 : vector<64xi32> to vector<64xf32>
    %broadcast_in_dim3A_65 = vector.shape_cast %convert_element_type3A_64 : vector<64xf32> to vector<64x1xf32>
    %mul3A_66 = vector.broadcast %convert_element_type3A_59 : vector<64x1xf32> to vector<64x128xf32>
    %mul3A_67 = arith.mulf %reshape3A, %mul3A_66 : vector<64x128xf32>
    %mul3A_68 = vector.broadcast %broadcast_in_dim3A_65 : vector<64x1xf32> to vector<64x128xf32>
    %mul3A_69 = arith.mulf %sub3A_4, %mul3A_68 : vector<64x128xf32>
    %add3A_70 = arith.addf %mul3A_67, %mul3A_69 : vector<64x128xf32>
    %get3A_71 = arith.constant 1 : index
    %get3A_72 = arith.constant 0 : index
    %get3A_73 = arith.constant 0 : index
    %get3A_74 = vector.load %arg2[%get3A_71, %get3A_72, %get3A_73] : memref<16x128x768xf32, #tpu.memory_space<vmem>>, vector<1x128x768xf32>
    %get3A_75 = vector.shape_cast %get3A_74 : vector<1x128x768xf32> to vector<128x768xf32>
    %dot_general3A_76 = arith.constant dense<0.000000e+00> : vector<64x768xf32>
    %dot_general3A_77 = tpu.matmul %add3A_70, %get3A_75, %dot_general3A_76 {dimension_numbers = #tpu.dot_dimension_numbers<[1], [0], [0], [1], [0, 0, 1, 1], [], []>, transpose_lhs_hint = false} : vector<64x128xf32>, vector<128x768xf32>, vector<64x768xf32> -> vector<64x768xf32>
    %add3A_78 = arith.addf %add3A_54, %dot_general3A_77 : vector<64x768xf32>
    %eq3A_79 = arith.constant 2 : i32
    %eq3A_80 = vector.broadcast %eq3A_79 : i32 to vector<64x1xi32>
    %eq3A_81 = arith.cmpi eq, %select_n3A, %eq3A_80 : vector<64x1xi32>
    %convert_element_type3A_82 = arith.extui %eq3A_81 : vector<64x1xi1> to vector<64x1xi32>
    %convert_element_type3A_83 = arith.sitofp %convert_element_type3A_82 : vector<64x1xi32> to vector<64x1xf32>
    %eq3A_84 = arith.constant 2 : i32
    %eq3A_85 = vector.broadcast %eq3A_84 : i32 to vector<64xi32>
    %eq3A_86 = arith.cmpi eq, %get3A_8, %eq3A_85 : vector<64xi32>
    %convert_element_type3A_87 = arith.extui %eq3A_86 : vector<64xi1> to vector<64xi32>
    %convert_element_type3A_88 = arith.sitofp %convert_element_type3A_87 : vector<64xi32> to vector<64xf32>
    %broadcast_in_dim3A_89 = vector.shape_cast %convert_element_type3A_88 : vector<64xf32> to vector<64x1xf32>
    %mul3A_90 = vector.broadcast %convert_element_type3A_83 : vector<64x1xf32> to vector<64x128xf32>
    %mul3A_91 = arith.mulf %reshape3A, %mul3A_90 : vector<64x128xf32>
    %mul3A_92 = vector.broadcast %broadcast_in_dim3A_89 : vector<64x1xf32> to vector<64x128xf32>
    %mul3A_93 = arith.mulf %sub3A_4, %mul3A_92 : vector<64x128xf32>
    %add3A_94 = arith.addf %mul3A_91, %mul3A_93 : vector<64x128xf32>
    %get3A_95 = arith.constant 2 : index
    %get3A_96 = arith.constant 0 : index
    %get3A_97 = arith.constant 0 : index
    %get3A_98 = vector.load %arg2[%get3A_95, %get3A_96, %get3A_97] : memref<16x128x768xf32, #tpu.memory_space<vmem>>, vector<1x128x768xf32>
    %get3A_99 = vector.shape_cast %get3A_98 : vector<1x128x768xf32> to vector<128x768xf32>
    %dot_general3A_100 = arith.constant dense<0.000000e+00> : vector<64x768xf32>
    %dot_general3A_101 = tpu.matmul %add3A_94, %get3A_99, %dot_general3A_100 {dimension_numbers = #tpu.dot_dimension_numbers<[1], [0], [0], [1], [0, 0, 1, 1], [], []>, transpose_lhs_hint = false} : vector<64x128xf32>, vector<128x768xf32>, vector<64x768xf32> -> vector<64x768xf32>
    %add3A_102 = arith.addf %add3A_78, %dot_general3A_101 : vector<64x768xf32>
    %eq3A_103 = arith.constant 3 : i32
    %eq3A_104 = vector.broadcast %eq3A_103 : i32 to vector<64x1xi32>
    %eq3A_105 = arith.cmpi eq, %select_n3A, %eq3A_104 : vector<64x1xi32>
    %convert_element_type3A_106 = arith.extui %eq3A_105 : vector<64x1xi1> to vector<64x1xi32>
    %convert_element_type3A_107 = arith.sitofp %convert_element_type3A_106 : vector<64x1xi32> to vector<64x1xf32>
    %eq3A_108 = arith.constant 3 : i32
    %eq3A_109 = vector.broadcast %eq3A_108 : i32 to vector<64xi32>
    %eq3A_110 = arith.cmpi eq, %get3A_8, %eq3A_109 : vector<64xi32>
    %convert_element_type3A_111 = arith.extui %eq3A_110 : vector<64xi1> to vector<64xi32>
    %convert_element_type3A_112 = arith.sitofp %convert_element_type3A_111 : vector<64xi32> to vector<64xf32>
    %broadcast_in_dim3A_113 = vector.shape_cast %convert_element_type3A_112 : vector<64xf32> to vector<64x1xf32>
    %mul3A_114 = vector.broadcast %convert_element_type3A_107 : vector<64x1xf32> to vector<64x128xf32>
    %mul3A_115 = arith.mulf %reshape3A, %mul3A_114 : vector<64x128xf32>
    %mul3A_116 = vector.broadcast %broadcast_in_dim3A_113 : vector<64x1xf32> to vector<64x128xf32>
    %mul3A_117 = arith.mulf %sub3A_4, %mul3A_116 : vector<64x128xf32>
    %add3A_118 = arith.addf %mul3A_115, %mul3A_117 : vector<64x128xf32>
    %get3A_119 = arith.constant 3 : index
    %get3A_120 = arith.constant 0 : index
    %get3A_121 = arith.constant 0 : index
    %get3A_122 = vector.load %arg2[%get3A_119, %get3A_120, %get3A_121] : memref<16x128x768xf32, #tpu.memory_space<vmem>>, vector<1x128x768xf32>
    %get3A_123 = vector.shape_cast %get3A_122 : vector<1x128x768xf32> to vector<128x768xf32>
    %dot_general3A_124 = arith.constant dense<0.000000e+00> : vector<64x768xf32>
    %dot_general3A_125 = tpu.matmul %add3A_118, %get3A_123, %dot_general3A_124 {dimension_numbers = #tpu.dot_dimension_numbers<[1], [0], [0], [1], [0, 0, 1, 1], [], []>, transpose_lhs_hint = false} : vector<64x128xf32>, vector<128x768xf32>, vector<64x768xf32> -> vector<64x768xf32>
    %add3A_126 = arith.addf %add3A_102, %dot_general3A_125 : vector<64x768xf32>
    %eq3A_127 = arith.constant 4 : i32
    %eq3A_128 = vector.broadcast %eq3A_127 : i32 to vector<64x1xi32>
    %eq3A_129 = arith.cmpi eq, %select_n3A, %eq3A_128 : vector<64x1xi32>
    %convert_element_type3A_130 = arith.extui %eq3A_129 : vector<64x1xi1> to vector<64x1xi32>
    %convert_element_type3A_131 = arith.sitofp %convert_element_type3A_130 : vector<64x1xi32> to vector<64x1xf32>
    %eq3A_132 = arith.constant 4 : i32
    %eq3A_133 = vector.broadcast %eq3A_132 : i32 to vector<64xi32>
    %eq3A_134 = arith.cmpi eq, %get3A_8, %eq3A_133 : vector<64xi32>
    %convert_element_type3A_135 = arith.extui %eq3A_134 : vector<64xi1> to vector<64xi32>
    %convert_element_type3A_136 = arith.sitofp %convert_element_type3A_135 : vector<64xi32> to vector<64xf32>
    %broadcast_in_dim3A_137 = vector.shape_cast %convert_element_type3A_136 : vector<64xf32> to vector<64x1xf32>
    %mul3A_138 = vector.broadcast %convert_element_type3A_131 : vector<64x1xf32> to vector<64x128xf32>
    %mul3A_139 = arith.mulf %reshape3A, %mul3A_138 : vector<64x128xf32>
    %mul3A_140 = vector.broadcast %broadcast_in_dim3A_137 : vector<64x1xf32> to vector<64x128xf32>
    %mul3A_141 = arith.mulf %sub3A_4, %mul3A_140 : vector<64x128xf32>
    %add3A_142 = arith.addf %mul3A_139, %mul3A_141 : vector<64x128xf32>
    %get3A_143 = arith.constant 4 : index
    %get3A_144 = arith.constant 0 : index
    %get3A_145 = arith.constant 0 : index
    %get3A_146 = vector.load %arg2[%get3A_143, %get3A_144, %get3A_145] : memref<16x128x768xf32, #tpu.memory_space<vmem>>, vector<1x128x768xf32>
    %get3A_147 = vector.shape_cast %get3A_146 : vector<1x128x768xf32> to vector<128x768xf32>
    %dot_general3A_148 = arith.constant dense<0.000000e+00> : vector<64x768xf32>
    %dot_general3A_149 = tpu.matmul %add3A_142, %get3A_147, %dot_general3A_148 {dimension_numbers = #tpu.dot_dimension_numbers<[1], [0], [0], [1], [0, 0, 1, 1], [], []>, transpose_lhs_hint = false} : vector<64x128xf32>, vector<128x768xf32>, vector<64x768xf32> -> vector<64x768xf32>
    %add3A_150 = arith.addf %add3A_126, %dot_general3A_149 : vector<64x768xf32>
    %eq3A_151 = arith.constant 5 : i32
    %eq3A_152 = vector.broadcast %eq3A_151 : i32 to vector<64x1xi32>
    %eq3A_153 = arith.cmpi eq, %select_n3A, %eq3A_152 : vector<64x1xi32>
    %convert_element_type3A_154 = arith.extui %eq3A_153 : vector<64x1xi1> to vector<64x1xi32>
    %convert_element_type3A_155 = arith.sitofp %convert_element_type3A_154 : vector<64x1xi32> to vector<64x1xf32>
    %eq3A_156 = arith.constant 5 : i32
    %eq3A_157 = vector.broadcast %eq3A_156 : i32 to vector<64xi32>
    %eq3A_158 = arith.cmpi eq, %get3A_8, %eq3A_157 : vector<64xi32>
    %convert_element_type3A_159 = arith.extui %eq3A_158 : vector<64xi1> to vector<64xi32>
    %convert_element_type3A_160 = arith.sitofp %convert_element_type3A_159 : vector<64xi32> to vector<64xf32>
    %broadcast_in_dim3A_161 = vector.shape_cast %convert_element_type3A_160 : vector<64xf32> to vector<64x1xf32>
    %mul3A_162 = vector.broadcast %convert_element_type3A_155 : vector<64x1xf32> to vector<64x128xf32>
    %mul3A_163 = arith.mulf %reshape3A, %mul3A_162 : vector<64x128xf32>
    %mul3A_164 = vector.broadcast %broadcast_in_dim3A_161 : vector<64x1xf32> to vector<64x128xf32>
    %mul3A_165 = arith.mulf %sub3A_4, %mul3A_164 : vector<64x128xf32>
    %add3A_166 = arith.addf %mul3A_163, %mul3A_165 : vector<64x128xf32>
    %get3A_167 = arith.constant 5 : index
    %get3A_168 = arith.constant 0 : index
    %get3A_169 = arith.constant 0 : index
    %get3A_170 = vector.load %arg2[%get3A_167, %get3A_168, %get3A_169] : memref<16x128x768xf32, #tpu.memory_space<vmem>>, vector<1x128x768xf32>
    %get3A_171 = vector.shape_cast %get3A_170 : vector<1x128x768xf32> to vector<128x768xf32>
    %dot_general3A_172 = arith.constant dense<0.000000e+00> : vector<64x768xf32>
    %dot_general3A_173 = tpu.matmul %add3A_166, %get3A_171, %dot_general3A_172 {dimension_numbers = #tpu.dot_dimension_numbers<[1], [0], [0], [1], [0, 0, 1, 1], [], []>, transpose_lhs_hint = false} : vector<64x128xf32>, vector<128x768xf32>, vector<64x768xf32> -> vector<64x768xf32>
    %add3A_174 = arith.addf %add3A_150, %dot_general3A_173 : vector<64x768xf32>
    %eq3A_175 = arith.constant 6 : i32
    %eq3A_176 = vector.broadcast %eq3A_175 : i32 to vector<64x1xi32>
    %eq3A_177 = arith.cmpi eq, %select_n3A, %eq3A_176 : vector<64x1xi32>
    %convert_element_type3A_178 = arith.extui %eq3A_177 : vector<64x1xi1> to vector<64x1xi32>
    %convert_element_type3A_179 = arith.sitofp %convert_element_type3A_178 : vector<64x1xi32> to vector<64x1xf32>
    %eq3A_180 = arith.constant 6 : i32
    %eq3A_181 = vector.broadcast %eq3A_180 : i32 to vector<64xi32>
    %eq3A_182 = arith.cmpi eq, %get3A_8, %eq3A_181 : vector<64xi32>
    %convert_element_type3A_183 = arith.extui %eq3A_182 : vector<64xi1> to vector<64xi32>
    %convert_element_type3A_184 = arith.sitofp %convert_element_type3A_183 : vector<64xi32> to vector<64xf32>
    %broadcast_in_dim3A_185 = vector.shape_cast %convert_element_type3A_184 : vector<64xf32> to vector<64x1xf32>
    %mul3A_186 = vector.broadcast %convert_element_type3A_179 : vector<64x1xf32> to vector<64x128xf32>
    %mul3A_187 = arith.mulf %reshape3A, %mul3A_186 : vector<64x128xf32>
    %mul3A_188 = vector.broadcast %broadcast_in_dim3A_185 : vector<64x1xf32> to vector<64x128xf32>
    %mul3A_189 = arith.mulf %sub3A_4, %mul3A_188 : vector<64x128xf32>
    %add3A_190 = arith.addf %mul3A_187, %mul3A_189 : vector<64x128xf32>
    %get3A_191 = arith.constant 6 : index
    %get3A_192 = arith.constant 0 : index
    %get3A_193 = arith.constant 0 : index
    %get3A_194 = vector.load %arg2[%get3A_191, %get3A_192, %get3A_193] : memref<16x128x768xf32, #tpu.memory_space<vmem>>, vector<1x128x768xf32>
    %get3A_195 = vector.shape_cast %get3A_194 : vector<1x128x768xf32> to vector<128x768xf32>
    %dot_general3A_196 = arith.constant dense<0.000000e+00> : vector<64x768xf32>
    %dot_general3A_197 = tpu.matmul %add3A_190, %get3A_195, %dot_general3A_196 {dimension_numbers = #tpu.dot_dimension_numbers<[1], [0], [0], [1], [0, 0, 1, 1], [], []>, transpose_lhs_hint = false} : vector<64x128xf32>, vector<128x768xf32>, vector<64x768xf32> -> vector<64x768xf32>
    %add3A_198 = arith.addf %add3A_174, %dot_general3A_197 : vector<64x768xf32>
    %eq3A_199 = arith.constant 7 : i32
    %eq3A_200 = vector.broadcast %eq3A_199 : i32 to vector<64x1xi32>
    %eq3A_201 = arith.cmpi eq, %select_n3A, %eq3A_200 : vector<64x1xi32>
    %convert_element_type3A_202 = arith.extui %eq3A_201 : vector<64x1xi1> to vector<64x1xi32>
    %convert_element_type3A_203 = arith.sitofp %convert_element_type3A_202 : vector<64x1xi32> to vector<64x1xf32>
    %eq3A_204 = arith.constant 7 : i32
    %eq3A_205 = vector.broadcast %eq3A_204 : i32 to vector<64xi32>
    %eq3A_206 = arith.cmpi eq, %get3A_8, %eq3A_205 : vector<64xi32>
    %convert_element_type3A_207 = arith.extui %eq3A_206 : vector<64xi1> to vector<64xi32>
    %convert_element_type3A_208 = arith.sitofp %convert_element_type3A_207 : vector<64xi32> to vector<64xf32>
    %broadcast_in_dim3A_209 = vector.shape_cast %convert_element_type3A_208 : vector<64xf32> to vector<64x1xf32>
    %mul3A_210 = vector.broadcast %convert_element_type3A_203 : vector<64x1xf32> to vector<64x128xf32>
    %mul3A_211 = arith.mulf %reshape3A, %mul3A_210 : vector<64x128xf32>
    %mul3A_212 = vector.broadcast %broadcast_in_dim3A_209 : vector<64x1xf32> to vector<64x128xf32>
    %mul3A_213 = arith.mulf %sub3A_4, %mul3A_212 : vector<64x128xf32>
    %add3A_214 = arith.addf %mul3A_211, %mul3A_213 : vector<64x128xf32>
    %get3A_215 = arith.constant 7 : index
    %get3A_216 = arith.constant 0 : index
    %get3A_217 = arith.constant 0 : index
    %get3A_218 = vector.load %arg2[%get3A_215, %get3A_216, %get3A_217] : memref<16x128x768xf32, #tpu.memory_space<vmem>>, vector<1x128x768xf32>
    %get3A_219 = vector.shape_cast %get3A_218 : vector<1x128x768xf32> to vector<128x768xf32>
    %dot_general3A_220 = arith.constant dense<0.000000e+00> : vector<64x768xf32>
    %dot_general3A_221 = tpu.matmul %add3A_214, %get3A_219, %dot_general3A_220 {dimension_numbers = #tpu.dot_dimension_numbers<[1], [0], [0], [1], [0, 0, 1, 1], [], []>, transpose_lhs_hint = false} : vector<64x128xf32>, vector<128x768xf32>, vector<64x768xf32> -> vector<64x768xf32>
    %add3A_222 = arith.addf %add3A_198, %dot_general3A_221 : vector<64x768xf32>
    %eq3A_223 = arith.constant 8 : i32
    %eq3A_224 = vector.broadcast %eq3A_223 : i32 to vector<64x1xi32>
    %eq3A_225 = arith.cmpi eq, %select_n3A, %eq3A_224 : vector<64x1xi32>
    %convert_element_type3A_226 = arith.extui %eq3A_225 : vector<64x1xi1> to vector<64x1xi32>
    %convert_element_type3A_227 = arith.sitofp %convert_element_type3A_226 : vector<64x1xi32> to vector<64x1xf32>
    %eq3A_228 = arith.constant 8 : i32
    %eq3A_229 = vector.broadcast %eq3A_228 : i32 to vector<64xi32>
    %eq3A_230 = arith.cmpi eq, %get3A_8, %eq3A_229 : vector<64xi32>
    %convert_element_type3A_231 = arith.extui %eq3A_230 : vector<64xi1> to vector<64xi32>
    %convert_element_type3A_232 = arith.sitofp %convert_element_type3A_231 : vector<64xi32> to vector<64xf32>
    %broadcast_in_dim3A_233 = vector.shape_cast %convert_element_type3A_232 : vector<64xf32> to vector<64x1xf32>
    %mul3A_234 = vector.broadcast %convert_element_type3A_227 : vector<64x1xf32> to vector<64x128xf32>
    %mul3A_235 = arith.mulf %reshape3A, %mul3A_234 : vector<64x128xf32>
    %mul3A_236 = vector.broadcast %broadcast_in_dim3A_233 : vector<64x1xf32> to vector<64x128xf32>
    %mul3A_237 = arith.mulf %sub3A_4, %mul3A_236 : vector<64x128xf32>
    %add3A_238 = arith.addf %mul3A_235, %mul3A_237 : vector<64x128xf32>
    %get3A_239 = arith.constant 8 : index
    %get3A_240 = arith.constant 0 : index
    %get3A_241 = arith.constant 0 : index
    %get3A_242 = vector.load %arg2[%get3A_239, %get3A_240, %get3A_241] : memref<16x128x768xf32, #tpu.memory_space<vmem>>, vector<1x128x768xf32>
    %get3A_243 = vector.shape_cast %get3A_242 : vector<1x128x768xf32> to vector<128x768xf32>
    %dot_general3A_244 = arith.constant dense<0.000000e+00> : vector<64x768xf32>
    %dot_general3A_245 = tpu.matmul %add3A_238, %get3A_243, %dot_general3A_244 {dimension_numbers = #tpu.dot_dimension_numbers<[1], [0], [0], [1], [0, 0, 1, 1], [], []>, transpose_lhs_hint = false} : vector<64x128xf32>, vector<128x768xf32>, vector<64x768xf32> -> vector<64x768xf32>
    %add3A_246 = arith.addf %add3A_222, %dot_general3A_245 : vector<64x768xf32>
    %eq3A_247 = arith.constant 9 : i32
    %eq3A_248 = vector.broadcast %eq3A_247 : i32 to vector<64x1xi32>
    %eq3A_249 = arith.cmpi eq, %select_n3A, %eq3A_248 : vector<64x1xi32>
    %convert_element_type3A_250 = arith.extui %eq3A_249 : vector<64x1xi1> to vector<64x1xi32>
    %convert_element_type3A_251 = arith.sitofp %convert_element_type3A_250 : vector<64x1xi32> to vector<64x1xf32>
    %eq3A_252 = arith.constant 9 : i32
    %eq3A_253 = vector.broadcast %eq3A_252 : i32 to vector<64xi32>
    %eq3A_254 = arith.cmpi eq, %get3A_8, %eq3A_253 : vector<64xi32>
    %convert_element_type3A_255 = arith.extui %eq3A_254 : vector<64xi1> to vector<64xi32>
    %convert_element_type3A_256 = arith.sitofp %convert_element_type3A_255 : vector<64xi32> to vector<64xf32>
    %broadcast_in_dim3A_257 = vector.shape_cast %convert_element_type3A_256 : vector<64xf32> to vector<64x1xf32>
    %mul3A_258 = vector.broadcast %convert_element_type3A_251 : vector<64x1xf32> to vector<64x128xf32>
    %mul3A_259 = arith.mulf %reshape3A, %mul3A_258 : vector<64x128xf32>
    %mul3A_260 = vector.broadcast %broadcast_in_dim3A_257 : vector<64x1xf32> to vector<64x128xf32>
    %mul3A_261 = arith.mulf %sub3A_4, %mul3A_260 : vector<64x128xf32>
    %add3A_262 = arith.addf %mul3A_259, %mul3A_261 : vector<64x128xf32>
    %get3A_263 = arith.constant 9 : index
    %get3A_264 = arith.constant 0 : index
    %get3A_265 = arith.constant 0 : index
    %get3A_266 = vector.load %arg2[%get3A_263, %get3A_264, %get3A_265] : memref<16x128x768xf32, #tpu.memory_space<vmem>>, vector<1x128x768xf32>
    %get3A_267 = vector.shape_cast %get3A_266 : vector<1x128x768xf32> to vector<128x768xf32>
    %dot_general3A_268 = arith.constant dense<0.000000e+00> : vector<64x768xf32>
    %dot_general3A_269 = tpu.matmul %add3A_262, %get3A_267, %dot_general3A_268 {dimension_numbers = #tpu.dot_dimension_numbers<[1], [0], [0], [1], [0, 0, 1, 1], [], []>, transpose_lhs_hint = false} : vector<64x128xf32>, vector<128x768xf32>, vector<64x768xf32> -> vector<64x768xf32>
    %add3A_270 = arith.addf %add3A_246, %dot_general3A_269 : vector<64x768xf32>
    %eq3A_271 = arith.constant 10 : i32
    %eq3A_272 = vector.broadcast %eq3A_271 : i32 to vector<64x1xi32>
    %eq3A_273 = arith.cmpi eq, %select_n3A, %eq3A_272 : vector<64x1xi32>
    %convert_element_type3A_274 = arith.extui %eq3A_273 : vector<64x1xi1> to vector<64x1xi32>
    %convert_element_type3A_275 = arith.sitofp %convert_element_type3A_274 : vector<64x1xi32> to vector<64x1xf32>
    %eq3A_276 = arith.constant 10 : i32
    %eq3A_277 = vector.broadcast %eq3A_276 : i32 to vector<64xi32>
    %eq3A_278 = arith.cmpi eq, %get3A_8, %eq3A_277 : vector<64xi32>
    %convert_element_type3A_279 = arith.extui %eq3A_278 : vector<64xi1> to vector<64xi32>
    %convert_element_type3A_280 = arith.sitofp %convert_element_type3A_279 : vector<64xi32> to vector<64xf32>
    %broadcast_in_dim3A_281 = vector.shape_cast %convert_element_type3A_280 : vector<64xf32> to vector<64x1xf32>
    %mul3A_282 = vector.broadcast %convert_element_type3A_275 : vector<64x1xf32> to vector<64x128xf32>
    %mul3A_283 = arith.mulf %reshape3A, %mul3A_282 : vector<64x128xf32>
    %mul3A_284 = vector.broadcast %broadcast_in_dim3A_281 : vector<64x1xf32> to vector<64x128xf32>
    %mul3A_285 = arith.mulf %sub3A_4, %mul3A_284 : vector<64x128xf32>
    %add3A_286 = arith.addf %mul3A_283, %mul3A_285 : vector<64x128xf32>
    %get3A_287 = arith.constant 10 : index
    %get3A_288 = arith.constant 0 : index
    %get3A_289 = arith.constant 0 : index
    %get3A_290 = vector.load %arg2[%get3A_287, %get3A_288, %get3A_289] : memref<16x128x768xf32, #tpu.memory_space<vmem>>, vector<1x128x768xf32>
    %get3A_291 = vector.shape_cast %get3A_290 : vector<1x128x768xf32> to vector<128x768xf32>
    %dot_general3A_292 = arith.constant dense<0.000000e+00> : vector<64x768xf32>
    %dot_general3A_293 = tpu.matmul %add3A_286, %get3A_291, %dot_general3A_292 {dimension_numbers = #tpu.dot_dimension_numbers<[1], [0], [0], [1], [0, 0, 1, 1], [], []>, transpose_lhs_hint = false} : vector<64x128xf32>, vector<128x768xf32>, vector<64x768xf32> -> vector<64x768xf32>
    %add3A_294 = arith.addf %add3A_270, %dot_general3A_293 : vector<64x768xf32>
    %eq3A_295 = arith.constant 11 : i32
    %eq3A_296 = vector.broadcast %eq3A_295 : i32 to vector<64x1xi32>
    %eq3A_297 = arith.cmpi eq, %select_n3A, %eq3A_296 : vector<64x1xi32>
    %convert_element_type3A_298 = arith.extui %eq3A_297 : vector<64x1xi1> to vector<64x1xi32>
    %convert_element_type3A_299 = arith.sitofp %convert_element_type3A_298 : vector<64x1xi32> to vector<64x1xf32>
    %eq3A_300 = arith.constant 11 : i32
    %eq3A_301 = vector.broadcast %eq3A_300 : i32 to vector<64xi32>
    %eq3A_302 = arith.cmpi eq, %get3A_8, %eq3A_301 : vector<64xi32>
    %convert_element_type3A_303 = arith.extui %eq3A_302 : vector<64xi1> to vector<64xi32>
    %convert_element_type3A_304 = arith.sitofp %convert_element_type3A_303 : vector<64xi32> to vector<64xf32>
    %broadcast_in_dim3A_305 = vector.shape_cast %convert_element_type3A_304 : vector<64xf32> to vector<64x1xf32>
    %mul3A_306 = vector.broadcast %convert_element_type3A_299 : vector<64x1xf32> to vector<64x128xf32>
    %mul3A_307 = arith.mulf %reshape3A, %mul3A_306 : vector<64x128xf32>
    %mul3A_308 = vector.broadcast %broadcast_in_dim3A_305 : vector<64x1xf32> to vector<64x128xf32>
    %mul3A_309 = arith.mulf %sub3A_4, %mul3A_308 : vector<64x128xf32>
    %add3A_310 = arith.addf %mul3A_307, %mul3A_309 : vector<64x128xf32>
    %get3A_311 = arith.constant 11 : index
    %get3A_312 = arith.constant 0 : index
    %get3A_313 = arith.constant 0 : index
    %get3A_314 = vector.load %arg2[%get3A_311, %get3A_312, %get3A_313] : memref<16x128x768xf32, #tpu.memory_space<vmem>>, vector<1x128x768xf32>
    %get3A_315 = vector.shape_cast %get3A_314 : vector<1x128x768xf32> to vector<128x768xf32>
    %dot_general3A_316 = arith.constant dense<0.000000e+00> : vector<64x768xf32>
    %dot_general3A_317 = tpu.matmul %add3A_310, %get3A_315, %dot_general3A_316 {dimension_numbers = #tpu.dot_dimension_numbers<[1], [0], [0], [1], [0, 0, 1, 1], [], []>, transpose_lhs_hint = false} : vector<64x128xf32>, vector<128x768xf32>, vector<64x768xf32> -> vector<64x768xf32>
    %add3A_318 = arith.addf %add3A_294, %dot_general3A_317 : vector<64x768xf32>
    %eq3A_319 = arith.constant 12 : i32
    %eq3A_320 = vector.broadcast %eq3A_319 : i32 to vector<64x1xi32>
    %eq3A_321 = arith.cmpi eq, %select_n3A, %eq3A_320 : vector<64x1xi32>
    %convert_element_type3A_322 = arith.extui %eq3A_321 : vector<64x1xi1> to vector<64x1xi32>
    %convert_element_type3A_323 = arith.sitofp %convert_element_type3A_322 : vector<64x1xi32> to vector<64x1xf32>
    %eq3A_324 = arith.constant 12 : i32
    %eq3A_325 = vector.broadcast %eq3A_324 : i32 to vector<64xi32>
    %eq3A_326 = arith.cmpi eq, %get3A_8, %eq3A_325 : vector<64xi32>
    %convert_element_type3A_327 = arith.extui %eq3A_326 : vector<64xi1> to vector<64xi32>
    %convert_element_type3A_328 = arith.sitofp %convert_element_type3A_327 : vector<64xi32> to vector<64xf32>
    %broadcast_in_dim3A_329 = vector.shape_cast %convert_element_type3A_328 : vector<64xf32> to vector<64x1xf32>
    %mul3A_330 = vector.broadcast %convert_element_type3A_323 : vector<64x1xf32> to vector<64x128xf32>
    %mul3A_331 = arith.mulf %reshape3A, %mul3A_330 : vector<64x128xf32>
    %mul3A_332 = vector.broadcast %broadcast_in_dim3A_329 : vector<64x1xf32> to vector<64x128xf32>
    %mul3A_333 = arith.mulf %sub3A_4, %mul3A_332 : vector<64x128xf32>
    %add3A_334 = arith.addf %mul3A_331, %mul3A_333 : vector<64x128xf32>
    %get3A_335 = arith.constant 12 : index
    %get3A_336 = arith.constant 0 : index
    %get3A_337 = arith.constant 0 : index
    %get3A_338 = vector.load %arg2[%get3A_335, %get3A_336, %get3A_337] : memref<16x128x768xf32, #tpu.memory_space<vmem>>, vector<1x128x768xf32>
    %get3A_339 = vector.shape_cast %get3A_338 : vector<1x128x768xf32> to vector<128x768xf32>
    %dot_general3A_340 = arith.constant dense<0.000000e+00> : vector<64x768xf32>
    %dot_general3A_341 = tpu.matmul %add3A_334, %get3A_339, %dot_general3A_340 {dimension_numbers = #tpu.dot_dimension_numbers<[1], [0], [0], [1], [0, 0, 1, 1], [], []>, transpose_lhs_hint = false} : vector<64x128xf32>, vector<128x768xf32>, vector<64x768xf32> -> vector<64x768xf32>
    %add3A_342 = arith.addf %add3A_318, %dot_general3A_341 : vector<64x768xf32>
    %eq3A_343 = arith.constant 13 : i32
    %eq3A_344 = vector.broadcast %eq3A_343 : i32 to vector<64x1xi32>
    %eq3A_345 = arith.cmpi eq, %select_n3A, %eq3A_344 : vector<64x1xi32>
    %convert_element_type3A_346 = arith.extui %eq3A_345 : vector<64x1xi1> to vector<64x1xi32>
    %convert_element_type3A_347 = arith.sitofp %convert_element_type3A_346 : vector<64x1xi32> to vector<64x1xf32>
    %eq3A_348 = arith.constant 13 : i32
    %eq3A_349 = vector.broadcast %eq3A_348 : i32 to vector<64xi32>
    %eq3A_350 = arith.cmpi eq, %get3A_8, %eq3A_349 : vector<64xi32>
    %convert_element_type3A_351 = arith.extui %eq3A_350 : vector<64xi1> to vector<64xi32>
    %convert_element_type3A_352 = arith.sitofp %convert_element_type3A_351 : vector<64xi32> to vector<64xf32>
    %broadcast_in_dim3A_353 = vector.shape_cast %convert_element_type3A_352 : vector<64xf32> to vector<64x1xf32>
    %mul3A_354 = vector.broadcast %convert_element_type3A_347 : vector<64x1xf32> to vector<64x128xf32>
    %mul3A_355 = arith.mulf %reshape3A, %mul3A_354 : vector<64x128xf32>
    %mul3A_356 = vector.broadcast %broadcast_in_dim3A_353 : vector<64x1xf32> to vector<64x128xf32>
    %mul3A_357 = arith.mulf %sub3A_4, %mul3A_356 : vector<64x128xf32>
    %add3A_358 = arith.addf %mul3A_355, %mul3A_357 : vector<64x128xf32>
    %get3A_359 = arith.constant 13 : index
    %get3A_360 = arith.constant 0 : index
    %get3A_361 = arith.constant 0 : index
    %get3A_362 = vector.load %arg2[%get3A_359, %get3A_360, %get3A_361] : memref<16x128x768xf32, #tpu.memory_space<vmem>>, vector<1x128x768xf32>
    %get3A_363 = vector.shape_cast %get3A_362 : vector<1x128x768xf32> to vector<128x768xf32>
    %dot_general3A_364 = arith.constant dense<0.000000e+00> : vector<64x768xf32>
    %dot_general3A_365 = tpu.matmul %add3A_358, %get3A_363, %dot_general3A_364 {dimension_numbers = #tpu.dot_dimension_numbers<[1], [0], [0], [1], [0, 0, 1, 1], [], []>, transpose_lhs_hint = false} : vector<64x128xf32>, vector<128x768xf32>, vector<64x768xf32> -> vector<64x768xf32>
    %add3A_366 = arith.addf %add3A_342, %dot_general3A_365 : vector<64x768xf32>
    %eq3A_367 = arith.constant 14 : i32
    %eq3A_368 = vector.broadcast %eq3A_367 : i32 to vector<64x1xi32>
    %eq3A_369 = arith.cmpi eq, %select_n3A, %eq3A_368 : vector<64x1xi32>
    %convert_element_type3A_370 = arith.extui %eq3A_369 : vector<64x1xi1> to vector<64x1xi32>
    %convert_element_type3A_371 = arith.sitofp %convert_element_type3A_370 : vector<64x1xi32> to vector<64x1xf32>
    %eq3A_372 = arith.constant 14 : i32
    %eq3A_373 = vector.broadcast %eq3A_372 : i32 to vector<64xi32>
    %eq3A_374 = arith.cmpi eq, %get3A_8, %eq3A_373 : vector<64xi32>
    %convert_element_type3A_375 = arith.extui %eq3A_374 : vector<64xi1> to vector<64xi32>
    %convert_element_type3A_376 = arith.sitofp %convert_element_type3A_375 : vector<64xi32> to vector<64xf32>
    %broadcast_in_dim3A_377 = vector.shape_cast %convert_element_type3A_376 : vector<64xf32> to vector<64x1xf32>
    %mul3A_378 = vector.broadcast %convert_element_type3A_371 : vector<64x1xf32> to vector<64x128xf32>
    %mul3A_379 = arith.mulf %reshape3A, %mul3A_378 : vector<64x128xf32>
    %mul3A_380 = vector.broadcast %broadcast_in_dim3A_377 : vector<64x1xf32> to vector<64x128xf32>
    %mul3A_381 = arith.mulf %sub3A_4, %mul3A_380 : vector<64x128xf32>
    %add3A_382 = arith.addf %mul3A_379, %mul3A_381 : vector<64x128xf32>
    %get3A_383 = arith.constant 14 : index
    %get3A_384 = arith.constant 0 : index
    %get3A_385 = arith.constant 0 : index
    %get3A_386 = vector.load %arg2[%get3A_383, %get3A_384, %get3A_385] : memref<16x128x768xf32, #tpu.memory_space<vmem>>, vector<1x128x768xf32>
    %get3A_387 = vector.shape_cast %get3A_386 : vector<1x128x768xf32> to vector<128x768xf32>
    %dot_general3A_388 = arith.constant dense<0.000000e+00> : vector<64x768xf32>
    %dot_general3A_389 = tpu.matmul %add3A_382, %get3A_387, %dot_general3A_388 {dimension_numbers = #tpu.dot_dimension_numbers<[1], [0], [0], [1], [0, 0, 1, 1], [], []>, transpose_lhs_hint = false} : vector<64x128xf32>, vector<128x768xf32>, vector<64x768xf32> -> vector<64x768xf32>
    %add3A_390 = arith.addf %add3A_366, %dot_general3A_389 : vector<64x768xf32>
    %eq3A_391 = arith.constant 15 : i32
    %eq3A_392 = vector.broadcast %eq3A_391 : i32 to vector<64x1xi32>
    %eq3A_393 = arith.cmpi eq, %select_n3A, %eq3A_392 : vector<64x1xi32>
    %convert_element_type3A_394 = arith.extui %eq3A_393 : vector<64x1xi1> to vector<64x1xi32>
    %convert_element_type3A_395 = arith.sitofp %convert_element_type3A_394 : vector<64x1xi32> to vector<64x1xf32>
    %eq3A_396 = arith.constant 15 : i32
    %eq3A_397 = vector.broadcast %eq3A_396 : i32 to vector<64xi32>
    %eq3A_398 = arith.cmpi eq, %get3A_8, %eq3A_397 : vector<64xi32>
    %convert_element_type3A_399 = arith.extui %eq3A_398 : vector<64xi1> to vector<64xi32>
    %convert_element_type3A_400 = arith.sitofp %convert_element_type3A_399 : vector<64xi32> to vector<64xf32>
    %broadcast_in_dim3A_401 = vector.shape_cast %convert_element_type3A_400 : vector<64xf32> to vector<64x1xf32>
    %mul3A_402 = vector.broadcast %convert_element_type3A_395 : vector<64x1xf32> to vector<64x128xf32>
    %mul3A_403 = arith.mulf %reshape3A, %mul3A_402 : vector<64x128xf32>
    %mul3A_404 = vector.broadcast %broadcast_in_dim3A_401 : vector<64x1xf32> to vector<64x128xf32>
    %mul3A_405 = arith.mulf %sub3A_4, %mul3A_404 : vector<64x128xf32>
    %add3A_406 = arith.addf %mul3A_403, %mul3A_405 : vector<64x128xf32>
    %get3A_407 = arith.constant 15 : index
    %get3A_408 = arith.constant 0 : index
    %get3A_409 = arith.constant 0 : index
    %get3A_410 = vector.load %arg2[%get3A_407, %get3A_408, %get3A_409] : memref<16x128x768xf32, #tpu.memory_space<vmem>>, vector<1x128x768xf32>
    %get3A_411 = vector.shape_cast %get3A_410 : vector<1x128x768xf32> to vector<128x768xf32>
    %dot_general3A_412 = arith.constant dense<0.000000e+00> : vector<64x768xf32>
    %dot_general3A_413 = tpu.matmul %add3A_406, %get3A_411, %dot_general3A_412 {dimension_numbers = #tpu.dot_dimension_numbers<[1], [0], [0], [1], [0, 0, 1, 1], [], []>, transpose_lhs_hint = false} : vector<64x128xf32>, vector<128x768xf32>, vector<64x768xf32> -> vector<64x768xf32>
    %add3A_414 = arith.addf %add3A_390, %dot_general3A_413 : vector<64x768xf32>
    %eq3A_415 = arith.constant 0 : i32
    %eq3A_416 = arith.cmpi eq, %arg0, %eq3A_415 : i32
    %convert_element_type3A_417 = arith.extui %eq3A_416 : i1 to i32
    %cond3A = arith.constant 0 : i32
    %cond3A_418 = arith.cmpi ne, %convert_element_type3A_417, %cond3A : i32
    scf.if %cond3A_418 {
      %swap3A = arith.constant 0 : index
      %swap3A_428 = arith.constant 0 : index
      %swap3A_429 = vector.load %arg7[%swap3A, %swap3A_428] : memref<64x768xf32, #tpu.memory_space<vmem>>, vector<64x768xf32>
      tpu.vector_store %arg7[%swap3A, %swap3A_428], %add3A_414 {strides = array<i32>} : memref<64x768xf32, #tpu.memory_space<vmem>>, vector<64x768xf32>,
    } else {
    }
    %gt3A = arith.constant 0 : i32
    %gt3A_419 = arith.cmpi sgt, %arg0, %gt3A : i32
    %convert_element_type3A_420 = arith.extui %gt3A_419 : i1 to i32
    %cond3A_421 = arith.constant 0 : i32
    %cond3A_422 = arith.cmpi ne, %convert_element_type3A_420, %cond3A_421 : i32
    scf.if %cond3A_422 {
      %get3A_428 = arith.constant 0 : index
      %get3A_429 = arith.constant 0 : index
      %get3A_430 = vector.load %arg7[%get3A_428, %get3A_429] : memref<64x768xf32, #tpu.memory_space<vmem>>, vector<64x768xf32>
      %add3A_431 = arith.addf %get3A_430, %add3A_414 : vector<64x768xf32>
      %swap3A = arith.constant 0 : index
      %swap3A_432 = arith.constant 0 : index
      %swap3A_433 = vector.load %arg7[%swap3A, %swap3A_432] : memref<64x768xf32, #tpu.memory_space<vmem>>, vector<64x768xf32>
      tpu.vector_store %arg7[%swap3A, %swap3A_432], %add3A_431 {strides = array<i32>} : memref<64x768xf32, #tpu.memory_space<vmem>>, vector<64x768xf32>,
    } else {
    }
    %eq3A_423 = arith.constant 15 : i32
    %eq3A_424 = arith.cmpi eq, %arg0, %eq3A_423 : i32
    %convert_element_type3A_425 = arith.extui %eq3A_424 : i1 to i32
    %cond3A_426 = arith.constant 0 : i32
    %cond3A_427 = arith.cmpi ne, %convert_element_type3A_425, %cond3A_426 : i32
    scf.if %cond3A_427 {
      %get3A_428 = arith.constant 0 : index
      %get3A_429 = arith.constant 0 : index
      %get3A_430 = vector.load %arg4[%get3A_428, %get3A_429] : memref<16x768xf32, #tpu.memory_space<vmem>>, vector<16x768xf32>
      %broadcast_in_dim3A_431 = vector.shape_cast %get3A_430 : vector<16x768xf32> to vector<16x1x768xf32>
      %broadcast_in_dim3A_432 = vector.broadcast %broadcast_in_dim3A_431 : vector<16x1x768xf32> to vector<16x4x768xf32>
      %reshape3A_433 = vector.shape_cast %broadcast_in_dim3A_432 : vector<16x4x768xf32> to vector<64x768xf32>
      %get3A_434 = arith.constant 0 : index
      %get3A_435 = arith.constant 0 : index
      %get3A_436 = vector.load %arg7[%get3A_434, %get3A_435] : memref<64x768xf32, #tpu.memory_space<vmem>>, vector<64x768xf32>
      %mul3A_437 = arith.constant 4.8828125E-4 : f32
      %mul3A_438 = vector.broadcast %mul3A_437 : f32 to vector<64x768xf32>
      %mul3A_439 = arith.mulf %get3A_436, %mul3A_438 : vector<64x768xf32>
      %add3A_440 = arith.addf %mul3A_439, %reshape3A_433 : vector<64x768xf32>
      %get3A_441 = arith.constant 0 : index
      %get3A_442 = arith.constant 0 : index
      %get3A_443 = vector.load %arg5[%get3A_441, %get3A_442] : memref<768x768xf32, #tpu.memory_space<vmem>>, vector<768x768xf32>
      %dot_general3A_444 = arith.constant dense<0.000000e+00> : vector<64x768xf32>
      %dot_general3A_445 = tpu.matmul %add3A_440, %get3A_443, %dot_general3A_444 {dimension_numbers = #tpu.dot_dimension_numbers<[1], [0], [0], [1], [0, 0, 1, 1], [], []>, transpose_lhs_hint = false} : vector<64x768xf32>, vector<768x768xf32>, vector<64x768xf32> -> vector<64x768xf32>
      %swap3A = arith.constant 0 : index
      %swap3A_446 = arith.constant 0 : index
      %swap3A_447 = vector.load %arg6[%swap3A, %swap3A_446] : memref<64x768xf32, #tpu.memory_space<vmem>>, vector<64x768xf32>
      tpu.vector_store %arg6[%swap3A, %swap3A_446], %dot_general3A_445 {strides = array<i32>} : memref<64x768xf32, #tpu.memory_space<vmem>>, vector<64x768xf32>,
    } else {
    }
    return
  }
  func.func @transform_0(%arg0: i32) -> (i32, i32) {
    %c0_i32 = arith.constant 0 : i32
    %c0_i32_0 = arith.constant 0 : i32
    %c0_i32_1 = arith.constant 0 : i32
    return %c0_i32, %c0_i32_0 : i32, i32
  }
  func.func @transform_1(%arg0: i32) -> (i32, i32, i32) {
    %c0_i32 = arith.constant 0 : i32
    %c0_i32_0 = arith.constant 0 : i32
    %c0_i32_1 = arith.constant 0 : i32
    return %c0_i32, %arg0, %c0_i32_0 : i32, i32, i32
  }
  func.func @transform_2(%arg0: i32) -> (i32, i32) {
    %c0_i32 = arith.constant 0 : i32
    %c0_i32_0 = arith.constant 0 : i32
    return %c0_i32, %arg0 : i32, i32
  }
  func.func @transform_3(%arg0: i32) -> (i32, i32) {
    %c0_i32 = arith.constant 0 : i32
    %c0_i32_0 = arith.constant 0 : i32
    %c0_i32_1 = arith.constant 0 : i32
    return %c0_i32, %c0_i32_0 : i32, i32
  }
  func.func @transform_4(%arg0: i32) -> (i32, i32) {
    %c0_i32 = arith.constant 0 : i32
    %c0_i32_0 = arith.constant 0 : i32
    %c0_i32_1 = arith.constant 0 : i32
    return %c0_i32, %c0_i32_0 : i32, i32
  }
  func.func @transform_5(%arg0: i32) -> (i32, i32) {
    %c0_i32 = arith.constant 0 : i32
    %c0_i32_0 = arith.constant 0 : i32
    %c0_i32_1 = arith.constant 0 : i32
    return %c0_i32, %c0_i32_0 : i32, i32
  }
}

</mosaic_0001>

<sc_bundles>
// kernel: kernel.4.cloned.1.call-start
scs
__scs_entry_jumppad:
0x0: {  	(pc) =	sbr.rel $0x88, $3  }
0x1: {  	(tag) =	ssettag $0x0;
	lr =	simm.s32 $0x1  }
0x2: {  	[smem:$0x3F9D] =	sst lr;
	_ =	strace $0xD0000000  }
0x3: {  	_ = 	snop  }
0x4: {  	_ = 	snop  }
0x5: {  	_ = 	snop  }
0x6: {  	_ = 	snop  }
0x7: {  	_ = 	snop  }
__scs_overlays_trampoline_lowered:
0x8: {  	[smem:$0x3FAC] =	sst s0  }
0x9: {  	[smem:$0x3FAD] =	sst s1  }
0xa: {  	[smem:$0x3FAE] =	sst s2  }
0xb: {  	[smem:$0x3FAF] =	sst s3  }
0xc: {  	[smem:$0x3FB0] =	sst s4  }
0xd: {  	[smem:$0x3FB1] =	sst s5  }
0xe: {  	[smem:$0x3FB2] =	sst s6  }
0xf: {  	[smem:$0x3FB3] =	sst s7  }
0x10: {  	[smem:$0x3FB4] =	sst s8  }
0x11: {  	[smem:$0x3FB5] =	sst s9;
	s0 =	simm.s32 @!p0 $0x0  }
0x12: {  	s1 =	sld [smem:$0x3F9B];
	s0 =	simm.s32 @p0 $0x1  }
0x13: {  	[smem:$0x3FB6] =	sst s0;
	s0 =	simm.s32 @!p1 $0x0  }
0x14: {  	s2 =	sld [smem:$0x3F9A];
	s0 =	simm.s32 @p1 $0x1  }
0x15: {  	[smem:$0x3FB7] =	sst s0;
	s0 =	simm.s32 @!p2 $0x0  }
0x16: {  	s3 =	sld [smem:$0x3FDB];
	s0 =	simm.s32 @p2 $0x1  }
0x17: {  	s4 =	simm.s32 $0x1BF5;
	[smem:$0x3FB9] =	sst s0  }
0x18: {  	s0 =	sld [smem:$0x3F9C];
	_ =	swait.ge [sflag:s4], $0x0  }
0x19: {  	s7 =	sld [smem:$0x3F9D]  }
0x1a: {  	s8 =	sadd.s32 $0xFFFFE003, lr  }
0x1b: {  	s9 =	sadd.s32 $0xFFFFFEF7, lr;
	s5 =	simm.s32 $0xFFFFFFFF;
	p2 =	slt.u32 s8, $0xFFFFF086  }
0x1c: {  	p1 =	slt.u32 s9, $0xF7A;
	s5 =	simm.s32 @!p2 $0x0  }
0x1d: {  	s5 =	simm.s32 @p1 $0x1;
	p0 =	seq.s32 s7, s2  }
0x1e: {  	s7 =	smul.u32 @!p0 $0xF7A, s2;
	p2 =	seq.s32 @!p0 s5, $0x0  }
0x1f: {  	s9 =	smul.u32 $0xF7A, s1;
	s8 =	simm.s32 @!p0 $0x1BF5;
	p2 =	por !p2, p0  }
0x20: {  	[sflag:s8] =	ssyncset.s32 @!p0 $0xFFFFF086;
	s6 =	sadd.s32 @!p0 s3, s7;
	s7 =	simm.s32 @!p0 $0x108  }
0x21: {  	s3 =	sadd.s32 s3, s9;
	s6 =	sadd.s32 @!p0 $0x88, s6;
	s7 =	simm.s32 @p2 $0x1082  }
0x22: {  	[simem:s7], [sflag:s8] =	dma.local @!p0 [hbm:s6], $0xF7A  }
0x23: {  	s9 =	sor.u32 $0xD0000000, s2;
	s6 =	simm.s32 $0x108;
	_ =	swait.ge @!p0 [sflag:s8], $0x0  }
0x24: {  	s3 =	sadd.s32 $0x88, s3;
	s6 =	simm.s32 @!p1 $0x1082;
	[sflag:s4] =	ssyncset.s32 $0xFFFFF086  }
0x25: {  	[simem:s6], [sflag:s4] =	dma.local [hbm:s3], $0xF7A  }
0x26: {  	[smem:$0x3F9D] =	sst s1;
	(tag) =	ssettag s2;
	_ =	strace s9  }
0x27: {  	s1 =	sld [smem:$0x3FAD]  }
0x28: {  	s2 =	sld [smem:$0x3FAE]  }
0x29: {  	s4 =	sld [smem:$0x3FB0]  }
0x2a: {  	p0 =	seq.s32 s5, $0x0;
	s5 =	sld [smem:$0x3FB1]  }
0x2b: {  	s6 =	sld [smem:$0x3FB2]  }
0x2c: {  	s7 =	sld [smem:$0x3FB3]  }
0x2d: {  	s3 =	simm.s32 $0x108;
	s8 =	sld [smem:$0x3FB4]  }
0x2e: {  	s3 =	simm.s32 @!p0 $0x1082;
	s9 =	sld [smem:$0x3FB5]  }
0x2f: {  	lr =	sadd.s32 s0, s3;
	s0 =	sld [smem:$0x3FAC]  }
0x30: {  	s3 =	sld [smem:$0x3FAF]  }
0x31: {  	[smem:$0x3FB8] =	sst s10  }
0x32: {  	s10 =	sld [smem:$0x3FB6];
	_ =	sdelay $0x3  }
0x33: {  	p0 =	seq.s32 s10, $0x1;
	s10 =	sld [smem:$0x3FB8];
	_ =	sdelay $0x3  }
0x34: {  	[smem:$0x3FB8] =	sst s10  }
0x35: {  	s10 =	sld [smem:$0x3FB7];
	_ =	sdelay $0x3  }
0x36: {  	p1 =	seq.s32 s10, $0x1;
	s10 =	sld [smem:$0x3FB8];
	_ =	sdelay $0x3  }
0x37: {  	[smem:$0x3FB8] =	sst s10  }
0x38: {  	s10 =	sld [smem:$0x3FB9]  }
0x39: {  	_ = 	snop;
	(pc) =	sbr.ind lr, $3  }
0x3a: {  	_ = 	snop  }
0x3b: {  	_ = 	snop  }
0x3c: {  	p2 =	seq.s32 s10, $0x1;
	s10 =	sld [smem:$0x3FB8]  }
0x3d: {  	_ =	shalt  }
0x3e: {  	_ =	shalt  }
0x3f: {  	_ =	shalt  }
0x40: {  	_ =	shalt  }
0x41: {  	_ =	shalt  }
0x42: {  	_ =	shalt  }
0x43: {  	_ =	shalt  }
0x44: {  	_ =	shalt  }
0x45: {  	_ =	shalt  }
0x46: {  	_ =	shalt  }
0x47: {  	_ =	shalt  }
0x48: {  	_ =	shalt  }
0x49: {  	_ =	shalt  }
0x4a: {  	_ =	shalt  }
0x4b: {  	_ =	shalt  }
0x4c: {  	_ =	shalt  }
0x4d: {  	_ =	shalt  }
0x4e: {  	_ =	shalt  }
0x4f: {  	_ =	shalt  }
0x50: {  	_ =	shalt  }
0x51: {  	_ =	shalt  }
0x52: {  	_ =	shalt  }
0x53: {  	_ =	shalt  }
0x54: {  	_ =	shalt  }
0x55: {  	_ =	shalt  }
0x56: {  	_ =	shalt  }
0x57: {  	_ =	shalt  }
0x58: {  	_ =	shalt  }
0x59: {  	_ =	shalt  }
0x5a: {  	_ =	shalt  }
0x5b: {  	_ =	shalt  }
0x5c: {  	_ =	shalt  }
0x5d: {  	_ =	shalt  }
0x5e: {  	_ =	shalt  }
0x5f: {  	_ =	shalt  }
0x60: {  	_ =	shalt  }
0x61: {  	_ =	shalt  }
0x62: {  	_ =	shalt  }
0x63: {  	_ =	shalt  }
0x64: {  	_ =	shalt  }
0x65: {  	_ =	shalt  }
0x66: {  	_ =	shalt  }
0x67: {  	_ =	shalt  }
0x68: {  	_ =	shalt  }
0x69: {  	_ =	shalt  }
0x6a: {  	_ =	shalt  }
0x6b: {  	_ =	shalt  }
0x6c: {  	_ =	shalt  }
0x6d: {  	_ =	shalt  }
0x6e: {  	_ =	shalt  }
0x6f: {  	_ =	shalt  }
0x70: {  	_ =	shalt  }
0x71: {  	_ =	shalt  }
0x72: {  	_ =	shalt  }
0x73: {  	_ =	shalt  }
0x74: {  	_ =	shalt  }
0x75: {  	_ =	shalt  }
0x76: {  	_ =	shalt  }
0x77: {  	_ =	shalt  }
0x78: {  	_ =	shalt  }
0x79: {  	_ =	shalt  }
0x7a: {  	_ =	shalt  }
0x7b: {  	_ =	shalt  }
0x7c: {  	_ =	shalt  }
0x7d: {  	_ =	shalt  }
0x7e: {  	_ =	shalt  }
0x7f: {  	_ =	shalt  }
0x80: {  	_ =	shalt  }
0x81: {  	_ =	shalt  }
0x82: {  	_ =	shalt  }
0x83: {  	_ =	shalt  }
0x84: {  	_ =	shalt  }
0x85: {  	_ =	shalt  }
0x86: {  	_ =	shalt  }
0x87: {  	_ =	shalt  }
.Lfunc_end0:
.L_simem_size_0:
called_computation_lowered:
.L_overlay_start_0:
0x88: {  	s2 =	sld [smem:$0x3FD9]  }
0x89: {  	s3 =	sld [smem:$0x3FFE];
	_ =	sdelay $0x1  }
0x8a: {  	s1 =	srdreg.scid  }
0x8b: {  	s0 =	sand.u32 $0x1, s1  }
0x8c: {  	s14 =	sshll.u32 s0, $0xA;
	s2 =	sadd.s32 s3, s2  }
0x8d: {  	s2 =	sadd.s32 s2, s14  }
0x8e: {  	[smem:$0x3FC4] =	sst s2  }
0x8f: {  	_ = 	snop  }
0x90: {  	s2 =	sld [smem:$0x3FD0];
	_ =	sdelay $0x1  }
0x91: {  	s15 =	sld [smem:$0x3FC9]  }
0x92: {  	s5 =	simm.s32 $0xA;
	s6 =	simm.s32 $0x10;
	s4 =	sld [smem:$0x3FC7]  }
0x93: {  	[smem:s6], [sflag:s5] =	dma.local [hbm:s2], $0x1  }
0x94: {  	_ =	swait.eq [sflag:s5], $0x1  }
0x95: {  	[sflag:s5] =	ssyncset.done $0x0  }
0x96: {  	[sflag:s5] =	ssyncadd.s32 $0xFFFFFFFF  }
0x97: {  	s16 =	sld [smem:$0x10];
	(tm) =	ssettm $0x1  }
0x98: {  	s17 =	sld [smem:$0x3FFB];
	_ =	sdelay $0x3  }
0x99: {  	_ =	strace s17  }
0x9a: {  	s5 =	sld [smem:$0x3FFC];
	_ =	sdelay $0x3  }
0x9b: {  	_ =	strace s5  }
0x9c: {  	s5 =	sld [smem:$0x3FFD];
	_ =	sdelay $0x3  }
0x9d: {  	_ =	strace s5  }
0x9e: {  	_ =	strace $0x8FFFFFFF  }
0x9f: {  	s18 =	sld [smem:$0x3FDB];
	_ =	sdelay $0x1  }
0xa0: {  	s19 =	simm.s32 $_scs_section_size  }
0xa1: {  	s7 =	simm.s32 $_size__tile_overlayer_lowered;
	s8 =	simm.s32 $_tile_overlayer_lowered  }
0xa2: {  	s22 =	simm.s32 $0x1BFF;
	s21 =	sshll.u32 s8, $0x1;
	s5 =	sadd.s32 s19, s18  }
0xa3: {  	s9 =	simm.s32 $0x0;
	s20 =	sshll.u32 s7, $0x1;
	s7 =	sadd.s32 s21, s5  }
0xa4: {  	[timem:s9], [sflag:s22] =	dma.local [hbm:s7], s20  }
0xa5: {  	_ =	swait.ge [sflag:s22], s20  }
0xa6: {  	s6 =	ssub.s32 $0x0, s20;
	[sflag:s22] =	ssyncset.done $0x0  }
0xa7: {  	[sflag:s22] =	ssyncadd.s32 s6;
	_ =	sdelay $0x1  }
0xa8: {  	s23 =	simm.s32 $0x1B8B  }
0xa9: {  	_ =	swait.ge [sflag:s23], $0x1  }
0xaa: {  	[sflag:s23] =	ssyncset.done $0x0  }
0xab: {  	s25 =	simm.s32 $0x1B8E;
	s24 =	sld [smem:$0x3FFE];
	[sflag:s23] =	ssyncadd.s32 $0xFFFFFFFF  }
0xac: {  	s26 =	simm.s32 $execute0_lowered;
	[smem:$0x3FD2] =	sst s25  }
0xad: {  	s7 =	sshll.u32 s26, $0x1;
	_ =	strace $0x80000046;
	[dreg:$0x1] =	wrdreg $0xFFFFFFFF  }
0xae: {  	s28 =	simm.s32 $_size_execute0_lowered;
	s5 =	sadd.s32 s5, s7;
	[dreg:$0x0] =	wrdreg $0x0  }
0xaf: {  	s7 =	sshll.u32 s28, $0x1;
	[dreg:$0x2] =	wrdreg s5  }
0xb0: {  	[dreg:$0x3] =	wrdreg s7  }
0xb1: {  	[dreg:$0x4] =	wrdreg $0xC0  }
0xb2: {  	_ =	task [dreg:s9], $0x5FFFF  }
0xb3: {  	[dreg:$0x1] =	wrdreg $0xFFFFFFFF  }
0xb4: {  	[dreg:$0x0] =	wrdreg $0x60  }
0xb5: {  	[dreg:$0x2] =	wrdreg s15  }
0xb6: {  	[dreg:$0x3] =	wrdreg s4  }
0xb7: {  	[dreg:$0x4] =	wrdreg s24  }
0xb8: {  	[dreg:$0x5] =	wrdreg s16  }
0xb9: {  	[dreg:$0x6] =	wrdreg $0x9  }
0xba: {  	_ =	task.clear_ibuf [dreg:s9], $0x7FFFF;
	_ =	strace $0x90000046  }
0xbb: {  	s29 =	simm.s32 $0x9;
	_ =	strace $0x80000048  }
0xbc: {  	_ =	swait.ge [sflag:s29], $0x1  }
0xbd: {  	[sflag:s29] =	ssyncadd.s32 $0xFFFFFFFF  }
0xbe: {  	_ =	strace $0x90000048  }
0xbf: {  	_ =	sfence  }
0xc0: {  	s30 =	sld [smem:$0x0];
	_ =	sdelay $0x2  }
0xc1: {  	s31 =	sshll.u32 s1, $0xD;
	s1 =	sshrl.u32 s1, $0x2  }
0xc2: {  	s3 =	sand.u32 $0x4000, s31;
	s1 =	sadd.s32 s1, s30  }
0xc3: {  	s0 =	sor.u32 s3, s0;
	s1 =	sshll.u32 s1, $0x11  }
0xc4: {  	s0 =	sor.u32 s1, s0  }
0xc5: {  	s0 =	sadd.s32 $0x8F2B, s0  }
0xc6: {  	[sflag:s0] =	ssyncadd.remote.s32 $0x1  }
0xc7: {  	_ =	sfence.sel $0xFFFF  }
0xc8: {  	[dreg:$0x0] =	wrdreg $0xFFFFFFFF;
	(pc) =	sbr.abs _section_cstart, $3  }
0xc9: {  	[dreg:$0x1] =	wrdreg $0xFFFFFFFF  }
0xca: {  	_ =	task.clear_ibuf [dreg:s9], $0x2FFFF;
	_ =	strace $0x9FFFFFFF  }
0xcb: {  	(tm) =	ssettm $0x7FFFFFFF  }
tec
execute0_lowered:
.L_overlay_start_1:
0x0: {  	(tag) =	ssettag $0x1  }
0x1: {  	s1 =	rddreg [dreg:$0x0]  }
0x2: {  	s0 =	srdreg.scid;
	s2 =	rddreg [dreg:$0x1]  }
0x3: {  	s11 =	stileid.u32;
	s4 =	rddreg [dreg:$0x2]  }
0x4: {  	s6 =	rddreg [dreg:$0x3];
	s7 =	simm.s32 $0x1;
	s12 =	simm.s32 $0xD900  }
0x5: {  	s31 =	simm.s32 $0x14900;
	s13 =	simm.s32 $0x15900;
	s30 =	simm.s32 $0x17100  }
0x6: {  	s0 =	sand.u32 $0x1, s0;
	s3 =	sshll.u32 s11, $0x1;
	s18 =	sshll.u32 s11, $0xD  }
0x7: {  	s5 =	sor.u32 s0, s3;
	p1 =	seq.s32 s0, $0x1;
	s3 =	simm.s32 $0x0  }
0x8: {  	s10 =	ssub.s32 $0x2, s0;
	s0 =	sshll.u32 s0, $0xC;
	p0 =	seq.s32 s5, $0x0  }
0x9: {  	[smem:$0x7FF] =	sst s3;
	s14 =	sshll.u32 s5, $0x5;
	s17 =	smul.u32 $0x60000, s5  }
0xa: {  	s15 =	sshrl.u32 s10, $0x1;
	s21 =	smul.u32 $0x300000, s5;
	s0 =	sor.u32 s0, s18  }
0xb: {  	s18 =	simm.s32 $0x1900;
	p0 =	por !p0, !p1;
	_ =	strace $0x80000047  }
0xc: {  	s10 =	ssub.s32 s10, s15;
	s23 =	sor.u32 $0x80, s0;
	s24 =	sor.u32 $0x40, s0  }
0xd: {  	s15 =	simm.s32 $0x18100;
	p0 =	por !p0, !p0;
	s19 =	sadd.s32 s6, s17  }
0xe: {  	s5 =	sshrl.u32 s23, $0x3;
	s29 =	smax.u32 s10, $0x1;
	s10 =	simm.s32 $0x13900  }
0xf: {  	s23 =	simm.s32 $0x7;
	s17 =	simm.s32 $0x18900;
	s7 =	simm.s32 @!p0 $0x0  }
0x10: {  	[dreg:$0xb] =	wrdreg s19;
	s22 =	sadd.s32 $0xC00, s19;
	s5 =	smul.u32 $0x300, s5  }
0x11: {  	[dreg:$0xf] =	wrdreg s29;
	s19 =	simm.s32 $0x5;
	s20 =	ssub.s32 s11, s7  }
0x12: {  	s7 =	sadd.s32 s14, s4;
	s4 =	simm.s32 $0x1;
	[dreg:$0xc] =	wrdreg s22  }
0x13: {  	s11 =	sshrl.u32 s24, $0x3;
	s22 =	simm.s32 $0x4;
	s24 =	simm.s32 $0x8  }
0x14: {  	s14 =	simm.s32 $0x17900;
	s8 =	sshll.u32 s20, $0xB;
	s9 =	sshll.u32 s20, $0x7  }
0x15: {  	s16 =	sadd.s32 $0x1600, s7;
	s7 =	sadd.s32 $0x100, s1;
	s5 =	sadd.s32 s5, s6  }
0x16: {  	s11 =	smul.u32 $0x300, s11;
	v1 =	vmov s20;
	s20 =	simm.s32 $0x3;
	[dreg:$0xa] =	wrdreg s16  }
0x17: {  	s8 =	sand.u32 $0xFFFFC000, s8;
	s9 =	sand.u32 $0x380, s9;
	[dreg:$0x5] =	wrdreg s5  }
0x18: {  	s16 =	simm.s32 $0x2;
	s5 =	simm.s32 $0x0;
	s8 =	sor.u32 s9, s8  }
0x19: {  	s9 =	sadd.s32 $0x200, s1;
	s26 =	sadd.s32 s11, s6;
	s8 =	sshrl.u32 s8, $0x3  }
0x1a: {  	s11 =	simm.s32 $0x15100;
	[dreg:$0x7] =	wrdreg s26;
	s2 =	sadd.s32 s2, s8  }
0x1b: {  	s8 =	sor.u32 $0xA0, s0;
	[dreg:$0x9] =	wrdreg s2;
	s2 =	sshrl.u32 s21, $0x3  }
0x1c: {  	s0 =	sor.u32 $0x60, s0;
	s8 =	sshrl.u32 s8, $0x3;
	s2 =	sadd.s32 s6, s2  }
0x1d: {  	s0 =	sshrl.u32 s0, $0x3;
	s8 =	smul.u32 $0x300, s8;
	s28 =	sadd.s32 $0x5E800, s2  }
0x1e: {  	s0 =	smul.u32 $0x300, s0;
	s2 =	sadd.s32 $0x5F400, s2;
	[dreg:$0xd] =	wrdreg s28  }
0x1f: {  	v0 =	vlaneseq.u32;
	s21 =	simm.s32 $0x6;
	s25 =	sadd.s32 s8, s6;
	[dreg:$0xe] =	wrdreg s2  }
0x20: {  	vm0 =	vmmov $0xffff;
	v3 =	vshrl.u32 v0, $0x3;
	s0 =	sadd.s32 s0, s6;
	s2 =	simm.s32 $0xD900;
	[dreg:$0x6] =	wrdreg s25  }
0x21: {  	v2 =	vand.u32 $0x7, v0;
	v4 =	vor.u32 $0x8, v0;
	v3 =	vmul.u32 $0x8, v3;
	s8 =	simm.s32 $0x7900;
	[dreg:$0x8] =	wrdreg s0;
	s0 =	simm.s32 $0x7900  }
.LBB2_1:
0x22: {  	s25 =	rddreg [dreg:$0x9];
	s26 =	simm.s32 $0x80;
	s28 =	simm.s32 $0x400  }
0x23: {  	[tilespmem:s3], [sflag:$0x9] =	stream.strided.gather [hbm4b:s25+s26], $0x800, s28, s26, $0x38;
	[tilespmem:$0x19900] =	vst v63  }
0x24: {  	s26 =	simm.s32 $0x9  }
0x25: {  	_ =	swait.ge [sflag:s26], $0x800  }
0x26: {  	[sflag:s26] =	ssyncset.done $0x0  }
0x27: {  	s28 =	simm.s32 $0x800;
	s6 =	rddreg [dreg:$0xa];
	[sflag:s26] =	ssyncadd.s32 $0xFFFFF800  }
0x28: {  	[tilespmem:s28], [sflag:$0x9] =	stream.linear.gather [hbm4b:s6+s3], $0x100, $0x38;
	[tilespmem:$0x19900] =	vst v63  }
0x29: {  	_ =	swait.ge [sflag:s26], $0x100  }
0x2a: {  	[sflag:s26] =	ssyncset.done $0x0  }
0x2b: {  	[sflag:s26] =	ssyncadd.s32 $0xFFFFFF00  }
0x2c: {  	v6 =	vld [tilespmem:s3+$0x0]  }
0x2d: {  	v5 =	vld [tilespmem:$0x800];
	_ =	sdelay $0x3  }
0x2e: {  	vm1 =	veq.s32 v6, $0x1  }
0x2f: {  	v6 =	vsel vm1, v1, v5  }
0x30: {  	v6 =	vshll.u32 v6, $0xB  }
0x31: {  	v6 =	vadd.s32 s3, v6  }
0x32: {  	s25 =	simm.s32 $0x900;
	v6 =	vor.u32 v0, v6  }
0x33: {  	s26 =	simm.s32 $0x10;
	[tilespmem:s25+$0x0] =	vst v6  }
0x34: {  	s29 =	simm.s32 $0x10;
	s28 =	simm.s32 $0x20;
	v6 =	vld [tilespmem:s26+$0x0]  }
.LBB2_2:
0x35: {  	p0 =	sne.s32 s28, $0x7F0;
	_ =	sdelay $0x3  }
0x36: {  	vm1 =	veq.s32 v6, $0x1  }
0x37: {  	v6 =	vsel vm1, v1, v5  }
.Ltmp0:
0x38: {  	v6 =	vshll.u32 v6, $0xB;
	(pc) =	sbr.rel @p0 .LBB2_2-.Ltmp0, $4  }
0x39: {  	v6 =	vadd.s32 s26, v6;
	s26 =	smov.u32 s28  }
0x3a: {  	s25 =	sadd.s32 $0x10, s25;
	v6 =	vor.u32 v0, v6  }
0x3b: {  	s29 =	sadd.s32 $0x10, s29;
	[tilespmem:s25+$0x0] =	vst v6  }
0x3c: {  	s28 =	sadd.s32 $0x10, s28;
	v6 =	vld [tilespmem:s29+$0x0]  }
0x3d: {  	_ =	sdelay $0x3  }
0x3e: {  	vm1 =	veq.s32 v6, $0x1  }
0x3f: {  	v5 =	vsel vm1, v1, v5  }
0x40: {  	v5 =	vshll.u32 v5, $0xB  }
0x41: {  	v5 =	vadd.s32 s26, v5  }
0x42: {  	s25 =	sadd.s32 $0x10, s25;
	v5 =	vor.u32 v0, v5  }
0x43: {  	[tilespmem:s25+$0x0] =	vst v5  }
0x44: {  	s25 =	simm.s32 $0x0;
	v5 =	vld [tilespmem:$0x880]  }
0x45: {  	[dreg:$0x10] =	wrdreg s5;
	s28 =	simm.s32 $0x0;
	s26 =	simm.s32 $0x10;
	v6 =	vld [tilespmem:s25+$0x0]  }
.LBB2_4:
0x46: {  	p0 =	sne.s32 s26, $0x7F0;
	_ =	sdelay $0x3  }
0x47: {  	vm1 =	veq.s32 v6, $0x1  }
0x48: {  	v6 =	vsel vm1, v1, v5  }
.Ltmp1:
0x49: {  	v6 =	vshll.u32 v6, $0xB;
	(pc) =	sbr.rel @p0 .LBB2_4-.Ltmp1, $4  }
0x4a: {  	v6 =	vadd.s32 s25, v6  }
0x4b: {  	s29 =	sand.u32 $0x7F0, s25;
	s25 =	smov.u32 s26;
	v6 =	vor.u32 v0, v6  }
0x4c: {  	s28 =	sadd.s32 $0x10, s28;
	[tilespmem:s29+$0x1100] =	vst v6  }
0x4d: {  	s26 =	sadd.s32 $0x10, s26;
	v6 =	vld [tilespmem:s28+$0x0]  }
0x4e: {  	_ =	sdelay $0x3  }
0x4f: {  	vm1 =	veq.s32 v6, $0x1  }
0x50: {  	v5 =	vsel vm1, v1, v5  }
0x51: {  	v5 =	vshll.u32 v5, $0xB  }
0x52: {  	v5 =	vadd.s32 s25, v5  }
0x53: {  	s6 =	sand.u32 $0x7F0, s25;
	v5 =	vor.u32 v0, v5  }
0x54: {  	[tilespmem:s6+$0x1100] =	vst v5  }
0x55: {  	v5 =	vld [tilespmem:$0x900];
	_ =	sdelay $0x4  }
0x56: {  	v6 =	vshrl.u32 v5, $0x3  }
0x57: {  	v6 =	vmul.u32 $0x30, v6  }
0x58: {  	v5 =	vand.u32 $0x7, v5  }
0x59: {  	v5 =	vor.u32 v5, v6  }
0x5a: {  	v6 =	vperm.xlane v5, v2;
	_ =	sdelay $0x1  }
0x5b: {  	v6 =	vadd.s32 v3, v6;
	_ =	sdelay $0x3  }
0x5c: {  	s25 =	simm.s32 $0x0;
	v5 =	vperm.xlane v5, v4  }
0x5d: {  	[tilespmem:s18], [sflag:$0x1] =	stream.indirect_vreg.gather [hbm4b:s1+s25], $0x80, v6, vm0, $0xb8;
	[tilespmem:$0x19900] =	vst v63  }
0x5e: {  	s5 =	simm.s32 $0x2100;
	v5 =	vadd.s32 v3, v5  }
0x5f: {  	[tilespmem:s5], [sflag:$0x1] =	stream.indirect_vreg.gather [hbm4b:s7+s25], $0x80, v6, vm0, $0xb8;
	[tilespmem:$0x19900] =	vst v63  }
0x60: {  	s28 =	simm.s32 $0x2900  }
0x61: {  	[tilespmem:s28], [sflag:$0x1] =	stream.indirect_vreg.gather [hbm4b:s9+s25], $0x80, v6, vm0, $0xb8;
	[tilespmem:$0x19900] =	vst v63  }
0x62: {  	s26 =	simm.s32 $0x3100  }
0x63: {  	[tilespmem:s26], [sflag:$0x1] =	stream.indirect_vreg.gather [hbm4b:s1+s25], $0x80, v5, vm0, $0xb8;
	[tilespmem:$0x19900] =	vst v63  }
0x64: {  	s6 =	simm.s32 $0x3900  }
0x65: {  	[tilespmem:s6], [sflag:$0x1] =	stream.indirect_vreg.gather [hbm4b:s7+s25], $0x80, v5, vm0, $0xb8;
	[tilespmem:$0x19900] =	vst v63  }
0x66: {  	s26 =	simm.s32 $0x4100  }
0x67: {  	[tilespmem:s26], [sflag:$0x1] =	stream.indirect_vreg.gather [hbm4b:s9+s25], $0x80, v5, vm0, $0xb8;
	[tilespmem:$0x19900] =	vst v63  }
0x68: {  	v5 =	vld [tilespmem:$0x910];
	_ =	sdelay $0x4  }
0x69: {  	v6 =	vshrl.u32 v5, $0x3  }
0x6a: {  	v6 =	vmul.u32 $0x30, v6  }
0x6b: {  	v5 =	vand.u32 $0x7, v5  }
0x6c: {  	v5 =	vor.u32 v5, v6  }
0x6d: {  	v6 =	vperm.xlane v5, v2;
	_ =	sdelay $0x1  }
0x6e: {  	v6 =	vadd.s32 v3, v6;
	_ =	sdelay $0x3  }
0x6f: {  	s6 =	simm.s32 $0x4900;
	v5 =	vperm.xlane v5, v4  }
0x70: {  	[tilespmem:s6], [sflag:$0x1] =	stream.indirect_vreg.gather [hbm4b:s1+s25], $0x80, v6, vm0, $0xb8;
	[tilespmem:$0x19900] =	vst v63  }
0x71: {  	s26 =	simm.s32 $0x5100;
	v5 =	vadd.s32 v3, v5  }
0x72: {  	[tilespmem:s26], [sflag:$0x1] =	stream.indirect_vreg.gather [hbm4b:s7+s25], $0x80, v6, vm0, $0xb8;
	[tilespmem:$0x19900] =	vst v63  }
0x73: {  	s6 =	simm.s32 $0x5900  }
0x74: {  	[tilespmem:s6], [sflag:$0x1] =	stream.indirect_vreg.gather [hbm4b:s9+s25], $0x80, v6, vm0, $0xb8;
	[tilespmem:$0x19900] =	vst v63  }
0x75: {  	s26 =	simm.s32 $0x6100  }
0x76: {  	[tilespmem:s26], [sflag:$0x1] =	stream.indirect_vreg.gather [hbm4b:s1+s25], $0x80, v5, vm0, $0xb8;
	[tilespmem:$0x19900] =	vst v63  }
0x77: {  	s6 =	simm.s32 $0x6900  }
0x78: {  	[tilespmem:s6], [sflag:$0x1] =	stream.indirect_vreg.gather [hbm4b:s7+s25], $0x80, v5, vm0, $0xb8;
	[tilespmem:$0x19900] =	vst v63  }
0x79: {  	s26 =	simm.s32 $0x7100  }
0x7a: {  	[tilespmem:s26], [sflag:$0x1] =	stream.indirect_vreg.gather [hbm4b:s9+s25], $0x80, v5, vm0, $0xb8;
	[tilespmem:$0x19900] =	vst v63  }
0x7b: {  	v5 =	vld [tilespmem:$0x920];
	_ =	sdelay $0x4  }
0x7c: {  	v6 =	vshrl.u32 v5, $0x3  }
0x7d: {  	v6 =	vmul.u32 $0x30, v6  }
0x7e: {  	v5 =	vand.u32 $0x7, v5  }
0x7f: {  	v5 =	vor.u32 v5, v6  }
0x80: {  	v6 =	vperm.xlane v5, v2;
	_ =	sdelay $0x1  }
0x81: {  	v6 =	vadd.s32 v3, v6;
	_ =	sdelay $0x3  }
0x82: {  	v5 =	vperm.xlane v5, v4  }
0x83: {  	[tilespmem:s0], [sflag:$0x2] =	stream.indirect_vreg.gather [hbm4b:s1+s25], $0x80, v6, vm0, $0xb8;
	[tilespmem:$0x19900] =	vst v63  }
0x84: {  	s5 =	simm.s32 $0x8100;
	v5 =	vadd.s32 v3, v5  }
0x85: {  	[tilespmem:s5], [sflag:$0x2] =	stream.indirect_vreg.gather [hbm4b:s7+s25], $0x80, v6, vm0, $0xb8;
	[tilespmem:$0x19900] =	vst v63  }
0x86: {  	s6 =	simm.s32 $0x8900  }
0x87: {  	[tilespmem:s6], [sflag:$0x2] =	stream.indirect_vreg.gather [hbm4b:s9+s25], $0x80, v6, vm0, $0xb8;
	[tilespmem:$0x19900] =	vst v63  }
0x88: {  	s26 =	simm.s32 $0x9100  }
0x89: {  	[tilespmem:s26], [sflag:$0x2] =	stream.indirect_vreg.gather [hbm4b:s1+s25], $0x80, v5, vm0, $0xb8;
	[tilespmem:$0x19900] =	vst v63  }
0x8a: {  	s5 =	simm.s32 $0x9900  }
0x8b: {  	[tilespmem:s5], [sflag:$0x2] =	stream.indirect_vreg.gather [hbm4b:s7+s25], $0x80, v5, vm0, $0xb8;
	[tilespmem:$0x19900] =	vst v63  }
0x8c: {  	s6 =	simm.s32 $0xA100  }
0x8d: {  	[tilespmem:s6], [sflag:$0x2] =	stream.indirect_vreg.gather [hbm4b:s9+s25], $0x80, v5, vm0, $0xb8;
	[tilespmem:$0x19900] =	vst v63  }
0x8e: {  	v5 =	vld [tilespmem:$0x930];
	_ =	sdelay $0x4  }
0x8f: {  	v6 =	vshrl.u32 v5, $0x3  }
0x90: {  	v6 =	vmul.u32 $0x30, v6  }
0x91: {  	v5 =	vand.u32 $0x7, v5  }
0x92: {  	v5 =	vor.u32 v5, v6  }
0x93: {  	v6 =	vperm.xlane v5, v2;
	_ =	sdelay $0x1  }
0x94: {  	v6 =	vadd.s32 v3, v6;
	_ =	sdelay $0x3  }
0x95: {  	s26 =	simm.s32 $0xA900;
	v5 =	vperm.xlane v5, v4  }
0x96: {  	[tilespmem:s26], [sflag:$0x2] =	stream.indirect_vreg.gather [hbm4b:s1+s25], $0x80, v6, vm0, $0xb8;
	[tilespmem:$0x19900] =	vst v63  }
0x97: {  	s5 =	simm.s32 $0xB100;
	v5 =	vadd.s32 v3, v5  }
0x98: {  	[tilespmem:s5], [sflag:$0x2] =	stream.indirect_vreg.gather [hbm4b:s7+s25], $0x80, v6, vm0, $0xb8;
	[tilespmem:$0x19900] =	vst v63  }
0x99: {  	s6 =	simm.s32 $0xB900  }
0x9a: {  	[tilespmem:s6], [sflag:$0x2] =	stream.indirect_vreg.gather [hbm4b:s9+s25], $0x80, v6, vm0, $0xb8;
	[tilespmem:$0x19900] =	vst v63  }
0x9b: {  	s26 =	simm.s32 $0xC100  }
0x9c: {  	[tilespmem:s26], [sflag:$0x2] =	stream.indirect_vreg.gather [hbm4b:s1+s25], $0x80, v5, vm0, $0xb8;
	[tilespmem:$0x19900] =	vst v63  }
0x9d: {  	s5 =	simm.s32 $0xC900  }
0x9e: {  	[tilespmem:s5], [sflag:$0x2] =	stream.indirect_vreg.gather [hbm4b:s7+s25], $0x80, v5, vm0, $0xb8;
	[tilespmem:$0x19900] =	vst v63  }
0x9f: {  	s6 =	simm.s32 $0xD100  }
0xa0: {  	[tilespmem:s6], [sflag:$0x2] =	stream.indirect_vreg.gather [hbm4b:s9+s25], $0x80, v5, vm0, $0xb8;
	[tilespmem:$0x19900] =	vst v63  }
0xa1: {  	v5 =	vld [tilespmem:$0x940];
	_ =	sdelay $0x4  }
0xa2: {  	v6 =	vshrl.u32 v5, $0x3  }
0xa3: {  	v6 =	vmul.u32 $0x30, v6  }
0xa4: {  	v5 =	vand.u32 $0x7, v5  }
0xa5: {  	v5 =	vor.u32 v5, v6  }
0xa6: {  	v6 =	vperm.xlane v5, v2;
	_ =	sdelay $0x1  }
0xa7: {  	v6 =	vadd.s32 v3, v6;
	_ =	sdelay $0x3  }
0xa8: {  	v5 =	vperm.xlane v5, v4  }
0xa9: {  	[tilespmem:s2], [sflag:$0x3] =	stream.indirect_vreg.gather [hbm4b:s1+s25], $0x80, v6, vm0, $0xb8;
	[tilespmem:$0x19900] =	vst v63  }
0xaa: {  	s26 =	simm.s32 $0xE100;
	v5 =	vadd.s32 v3, v5  }
0xab: {  	[tilespmem:s26], [sflag:$0x3] =	stream.indirect_vreg.gather [hbm4b:s7+s25], $0x80, v6, vm0, $0xb8;
	[tilespmem:$0x19900] =	vst v63  }
0xac: {  	s2 =	simm.s32 $0xE900  }
0xad: {  	[tilespmem:s2], [sflag:$0x3] =	stream.indirect_vreg.gather [hbm4b:s9+s25], $0x80, v6, vm0, $0xb8;
	[tilespmem:$0x19900] =	vst v63  }
0xae: {  	s5 =	simm.s32 $0xF100  }
0xaf: {  	[tilespmem:s5], [sflag:$0x3] =	stream.indirect_vreg.gather [hbm4b:s1+s25], $0x80, v5, vm0, $0xb8;
	[tilespmem:$0x19900] =	vst v63  }
0xb0: {  	s6 =	simm.s32 $0xF900  }
0xb1: {  	[tilespmem:s6], [sflag:$0x3] =	stream.indirect_vreg.gather [hbm4b:s7+s25], $0x80, v5, vm0, $0xb8;
	[tilespmem:$0x19900] =	vst v63  }
0xb2: {  	s26 =	simm.s32 $0x10100  }
0xb3: {  	[tilespmem:s26], [sflag:$0x3] =	stream.indirect_vreg.gather [hbm4b:s9+s25], $0x80, v5, vm0, $0xb8;
	[tilespmem:$0x19900] =	vst v63  }
0xb4: {  	v5 =	vld [tilespmem:$0x950];
	_ =	sdelay $0x4  }
0xb5: {  	v6 =	vshrl.u32 v5, $0x3  }
0xb6: {  	v6 =	vmul.u32 $0x30, v6  }
0xb7: {  	v5 =	vand.u32 $0x7, v5  }
0xb8: {  	v5 =	vor.u32 v5, v6  }
0xb9: {  	v6 =	vperm.xlane v5, v2;
	_ =	sdelay $0x1  }
0xba: {  	v6 =	vadd.s32 v3, v6;
	_ =	sdelay $0x3  }
0xbb: {  	s2 =	simm.s32 $0x10900;
	v5 =	vperm.xlane v5, v4  }
0xbc: {  	[tilespmem:s2], [sflag:$0x3] =	stream.indirect_vreg.gather [hbm4b:s1+s25], $0x80, v6, vm0, $0xb8;
	[tilespmem:$0x19900] =	vst v63  }
0xbd: {  	s5 =	simm.s32 $0x11100;
	v5 =	vadd.s32 v3, v5  }
0xbe: {  	[tilespmem:s5], [sflag:$0x3] =	stream.indirect_vreg.gather [hbm4b:s7+s25], $0x80, v6, vm0, $0xb8;
	[tilespmem:$0x19900] =	vst v63  }
0xbf: {  	s6 =	simm.s32 $0x11900  }
0xc0: {  	[tilespmem:s6], [sflag:$0x3] =	stream.indirect_vreg.gather [hbm4b:s9+s25], $0x80, v6, vm0, $0xb8;
	[tilespmem:$0x19900] =	vst v63  }
0xc1: {  	s26 =	simm.s32 $0x12100  }
0xc2: {  	[tilespmem:s26], [sflag:$0x3] =	stream.indirect_vreg.gather [hbm4b:s1+s25], $0x80, v5, vm0, $0xb8;
	[tilespmem:$0x19900] =	vst v63  }
0xc3: {  	s2 =	simm.s32 $0x12900  }
0xc4: {  	[tilespmem:s2], [sflag:$0x3] =	stream.indirect_vreg.gather [hbm4b:s7+s25], $0x80, v5, vm0, $0xb8;
	[tilespmem:$0x19900] =	vst v63  }
0xc5: {  	s5 =	simm.s32 $0x13100  }
0xc6: {  	[tilespmem:s5], [sflag:$0x3] =	stream.indirect_vreg.gather [hbm4b:s9+s25], $0x80, v5, vm0, $0xb8;
	[tilespmem:$0x19900] =	vst v63  }
0xc7: {  	_ =	swait.ge [sflag:s4], $0x6000  }
0xc8: {  	[sflag:s4] =	ssyncset.done $0x0  }
0xc9: {  	s26 =	rddreg [dreg:$0xb];
	[sflag:s4] =	ssyncadd.s32 $0xFFFFA000  }
0xca: {  	[hbm4b:s26+s25] =	stream.linear.scatter [tilespmem:s18], [sflag:$0x5], $0x6000, $0x38;
	[tilespmem:$0x19900] =	vst v63  }
0xcb: {  	v5 =	vld [tilespmem:$0x960];
	_ =	sdelay $0x4  }
0xcc: {  	v6 =	vshrl.u32 v5, $0x3  }
0xcd: {  	v6 =	vmul.u32 $0x30, v6  }
0xce: {  	v5 =	vand.u32 $0x7, v5  }
0xcf: {  	v5 =	vor.u32 v5, v6  }
0xd0: {  	v6 =	vperm.xlane v5, v2;
	_ =	sdelay $0x1  }
0xd1: {  	v6 =	vadd.s32 v3, v6;
	_ =	sdelay $0x3  }
0xd2: {  	v5 =	vperm.xlane v5, v4  }
0xd3: {  	[tilespmem:s10], [sflag:$0x4] =	stream.indirect_vreg.gather [hbm4b:s1+s25], $0x80, v6, vm0, $0xb8;
	[tilespmem:$0x19900] =	vst v63  }
0xd4: {  	s18 =	simm.s32 $0x14100;
	v5 =	vadd.s32 v3, v5  }
0xd5: {  	[tilespmem:s18], [sflag:$0x4] =	stream.indirect_vreg.gather [hbm4b:s7+s25], $0x80, v6, vm0, $0xb8;
	[tilespmem:$0x19900] =	vst v63  }
0xd6: {  	_ = 	snop  }
0xd7: {  	[tilespmem:s31], [sflag:$0x4] =	stream.indirect_vreg.gather [hbm4b:s9+s25], $0x80, v6, vm0, $0xb8;
	[tilespmem:$0x19900] =	vst v63  }
0xd8: {  	_ = 	snop  }
0xd9: {  	[tilespmem:s11], [sflag:$0x4] =	stream.indirect_vreg.gather [hbm4b:s1+s25], $0x80, v5, vm0, $0xb8;
	[tilespmem:$0x19900] =	vst v63  }
0xda: {  	_ = 	snop  }
0xdb: {  	[tilespmem:s13], [sflag:$0x4] =	stream.indirect_vreg.gather [hbm4b:s7+s25], $0x80, v5, vm0, $0xb8;
	[tilespmem:$0x19900] =	vst v63  }
0xdc: {  	s29 =	simm.s32 $0x16100  }
0xdd: {  	[tilespmem:s29], [sflag:$0x4] =	stream.indirect_vreg.gather [hbm4b:s9+s25], $0x80, v5, vm0, $0xb8;
	[tilespmem:$0x19900] =	vst v63  }
0xde: {  	v5 =	vld [tilespmem:$0x970];
	_ =	sdelay $0x4  }
0xdf: {  	v6 =	vshrl.u32 v5, $0x3  }
0xe0: {  	v6 =	vmul.u32 $0x30, v6  }
0xe1: {  	v5 =	vand.u32 $0x7, v5  }
0xe2: {  	v5 =	vor.u32 v5, v6  }
0xe3: {  	v6 =	vperm.xlane v5, v2;
	_ =	sdelay $0x1  }
0xe4: {  	v6 =	vadd.s32 v3, v6;
	_ =	sdelay $0x3  }
0xe5: {  	s2 =	simm.s32 $0x16900;
	v5 =	vperm.xlane v5, v4  }
0xe6: {  	[tilespmem:s2], [sflag:$0x4] =	stream.indirect_vreg.gather [hbm4b:s1+s25], $0x80, v6, vm0, $0xb8;
	[tilespmem:$0x19900] =	vst v63  }
0xe7: {  	v5 =	vadd.s32 v3, v5  }
0xe8: {  	[tilespmem:s30], [sflag:$0x4] =	stream.indirect_vreg.gather [hbm4b:s7+s25], $0x80, v6, vm0, $0xb8;
	[tilespmem:$0x19900] =	vst v63  }
0xe9: {  	_ = 	snop  }
0xea: {  	[tilespmem:s14], [sflag:$0x4] =	stream.indirect_vreg.gather [hbm4b:s9+s25], $0x80, v6, vm0, $0xb8;
	[tilespmem:$0x19900] =	vst v63  }
0xeb: {  	_ = 	snop  }
0xec: {  	[tilespmem:s15], [sflag:$0x4] =	stream.indirect_vreg.gather [hbm4b:s1+s25], $0x80, v5, vm0, $0xb8;
	[tilespmem:$0x19900] =	vst v63  }
0xed: {  	_ = 	snop  }
0xee: {  	[tilespmem:s17], [sflag:$0x4] =	stream.indirect_vreg.gather [hbm4b:s7+s25], $0x80, v5, vm0, $0xb8;
	[tilespmem:$0x19900] =	vst v63  }
0xef: {  	s5 =	simm.s32 $0x19100  }
0xf0: {  	[tilespmem:s5], [sflag:$0x4] =	stream.indirect_vreg.gather [hbm4b:s9+s25], $0x80, v5, vm0, $0xb8;
	[tilespmem:$0x19900] =	vst v63  }
0xf1: {  	_ =	swait.ge [sflag:s16], $0x6000  }
0xf2: {  	s0 =	simm.s32 $0x13900;
	s26 =	simm.s32 $0x9F0;
	[sflag:s16] =	ssyncset.done $0x0  }
0xf3: {  	s10 =	simm.s32 $0x1900;
	s6 =	rddreg [dreg:$0xc];
	[sflag:s16] =	ssyncadd.s32 $0xFFFFA000  }
0xf4: {  	[hbm4b:s6+s25] =	stream.linear.scatter [tilespmem:s8], [sflag:$0x6], $0x6000, $0x38;
	[tilespmem:$0x19900] =	vst v63  }
.LBB2_6:
0xf5: {  	_ =	swait.ge [sflag:s19], $0x6000  }
0xf6: {  	[sflag:s19] =	ssyncset.done $0x0  }
0xf7: {  	[sflag:s19] =	ssyncadd.s32 $0xFFFFA000  }
0xf8: {  	v5 =	vld [tilespmem:s26+$0xFFFFFF90];
	_ =	sdelay $0x4  }
0xf9: {  	v6 =	vshrl.u32 v5, $0x3  }
0xfa: {  	v6 =	vmul.u32 $0x30, v6  }
0xfb: {  	v5 =	vand.u32 $0x7, v5  }
0xfc: {  	v5 =	vor.u32 v5, v6  }
0xfd: {  	v6 =	vperm.xlane v5, v2;
	_ =	sdelay $0x1  }
0xfe: {  	v6 =	vadd.s32 v3, v6;
	_ =	sdelay $0x3  }
0xff: {  	v5 =	vperm.xlane v5, v4  }
0x100: {  	[tilespmem:s10], [sflag:$0x1] =	stream.indirect_vreg.gather [hbm4b:s1+s3], $0x80, v6, vm0, $0xb8;
	[tilespmem:$0x19900] =	vst v63  }
0x101: {  	s6 =	simm.s32 $0x2100;
	v5 =	vadd.s32 v3, v5  }
0x102: {  	[tilespmem:s6], [sflag:$0x1] =	stream.indirect_vreg.gather [hbm4b:s7+s3], $0x80, v6, vm0, $0xb8;
	[tilespmem:$0x19900] =	vst v63  }
0x103: {  	_ = 	snop  }
0x104: {  	[tilespmem:s28], [sflag:$0x1] =	stream.indirect_vreg.gather [hbm4b:s9+s3], $0x80, v6, vm0, $0xb8;
	[tilespmem:$0x19900] =	vst v63  }
0x105: {  	s6 =	simm.s32 $0x3100  }
0x106: {  	[tilespmem:s6], [sflag:$0x1] =	stream.indirect_vreg.gather [hbm4b:s1+s3], $0x80, v5, vm0, $0xb8;
	[tilespmem:$0x19900] =	vst v63  }
0x107: {  	s6 =	simm.s32 $0x3900  }
0x108: {  	[tilespmem:s6], [sflag:$0x1] =	stream.indirect_vreg.gather [hbm4b:s7+s3], $0x80, v5, vm0, $0xb8;
	[tilespmem:$0x19900] =	vst v63  }
0x109: {  	s6 =	simm.s32 $0x4100  }
0x10a: {  	[tilespmem:s6], [sflag:$0x1] =	stream.indirect_vreg.gather [hbm4b:s9+s3], $0x80, v5, vm0, $0xb8;
	[tilespmem:$0x19900] =	vst v63  }
0x10b: {  	v5 =	vld [tilespmem:s26+$0xFFFFFFA0];
	_ =	sdelay $0x4  }
0x10c: {  	v6 =	vshrl.u32 v5, $0x3  }
0x10d: {  	v6 =	vmul.u32 $0x30, v6  }
0x10e: {  	v5 =	vand.u32 $0x7, v5  }
0x10f: {  	v5 =	vor.u32 v5, v6  }
0x110: {  	v6 =	vperm.xlane v5, v2;
	_ =	sdelay $0x1  }
0x111: {  	v6 =	vadd.s32 v3, v6;
	_ =	sdelay $0x3  }
0x112: {  	s6 =	simm.s32 $0x4900;
	v5 =	vperm.xlane v5, v4  }
0x113: {  	[tilespmem:s6], [sflag:$0x1] =	stream.indirect_vreg.gather [hbm4b:s1+s3], $0x80, v6, vm0, $0xb8;
	[tilespmem:$0x19900] =	vst v63  }
0x114: {  	v5 =	vadd.s32 v3, v5;
	s6 =	simm.s32 $0x5100  }
0x115: {  	[tilespmem:s6], [sflag:$0x1] =	stream.indirect_vreg.gather [hbm4b:s7+s3], $0x80, v6, vm0, $0xb8;
	[tilespmem:$0x19900] =	vst v63  }
0x116: {  	s6 =	simm.s32 $0x5900  }
0x117: {  	[tilespmem:s6], [sflag:$0x1] =	stream.indirect_vreg.gather [hbm4b:s9+s3], $0x80, v6, vm0, $0xb8;
	[tilespmem:$0x19900] =	vst v63  }
0x118: {  	s6 =	simm.s32 $0x6100  }
0x119: {  	[tilespmem:s6], [sflag:$0x1] =	stream.indirect_vreg.gather [hbm4b:s1+s3], $0x80, v5, vm0, $0xb8;
	[tilespmem:$0x19900] =	vst v63  }
0x11a: {  	s6 =	simm.s32 $0x6900  }
0x11b: {  	[tilespmem:s6], [sflag:$0x1] =	stream.indirect_vreg.gather [hbm4b:s7+s3], $0x80, v5, vm0, $0xb8;
	[tilespmem:$0x19900] =	vst v63  }
0x11c: {  	s6 =	simm.s32 $0x7100  }
0x11d: {  	[tilespmem:s6], [sflag:$0x1] =	stream.indirect_vreg.gather [hbm4b:s9+s3], $0x80, v5, vm0, $0xb8;
	[tilespmem:$0x19900] =	vst v63  }
0x11e: {  	_ =	swait.ge [sflag:s20], $0x6000  }
0x11f: {  	s28 =	rddreg [dreg:$0x7];
	[sflag:s20] =	ssyncset.done $0x0  }
0x120: {  	[sflag:s20] =	ssyncadd.s32 $0xFFFFA000;
	s28 =	sadd.s32 s25, s28  }
0x121: {  	[hbm4b:s28+s3] =	stream.linear.scatter [tilespmem:s12], [sflag:$0x7], $0x6000, $0x38;
	[tilespmem:$0x19900] =	vst v63  }
0x122: {  	_ =	swait.ge [sflag:s21], $0x6000  }
0x123: {  	[sflag:s21] =	ssyncset.done $0x0  }
0x124: {  	[sflag:s21] =	ssyncadd.s32 $0xFFFFA000  }
0x125: {  	v5 =	vld [tilespmem:s26+$0xFFFFFFB0];
	_ =	sdelay $0x4  }
0x126: {  	v6 =	vshrl.u32 v5, $0x3  }
0x127: {  	v6 =	vmul.u32 $0x30, v6  }
0x128: {  	v5 =	vand.u32 $0x7, v5  }
0x129: {  	v5 =	vor.u32 v5, v6  }
0x12a: {  	v6 =	vperm.xlane v5, v2;
	_ =	sdelay $0x1  }
0x12b: {  	v6 =	vadd.s32 v3, v6;
	_ =	sdelay $0x3  }
0x12c: {  	v5 =	vperm.xlane v5, v4  }
0x12d: {  	[tilespmem:s8], [sflag:$0x2] =	stream.indirect_vreg.gather [hbm4b:s1+s3], $0x80, v6, vm0, $0xb8;
	[tilespmem:$0x19900] =	vst v63  }
0x12e: {  	s6 =	simm.s32 $0x8100;
	v5 =	vadd.s32 v3, v5  }
0x12f: {  	[tilespmem:s6], [sflag:$0x2] =	stream.indirect_vreg.gather [hbm4b:s7+s3], $0x80, v6, vm0, $0xb8;
	[tilespmem:$0x19900] =	vst v63  }
0x130: {  	s6 =	simm.s32 $0x8900  }
0x131: {  	[tilespmem:s6], [sflag:$0x2] =	stream.indirect_vreg.gather [hbm4b:s9+s3], $0x80, v6, vm0, $0xb8;
	[tilespmem:$0x19900] =	vst v63  }
0x132: {  	s6 =	simm.s32 $0x9100  }
0x133: {  	[tilespmem:s6], [sflag:$0x2] =	stream.indirect_vreg.gather [hbm4b:s1+s3], $0x80, v5, vm0, $0xb8;
	[tilespmem:$0x19900] =	vst v63  }
0x134: {  	s6 =	simm.s32 $0x9900  }
0x135: {  	[tilespmem:s6], [sflag:$0x2] =	stream.indirect_vreg.gather [hbm4b:s7+s3], $0x80, v5, vm0, $0xb8;
	[tilespmem:$0x19900] =	vst v63  }
0x136: {  	s6 =	simm.s32 $0xA100  }
0x137: {  	[tilespmem:s6], [sflag:$0x2] =	stream.indirect_vreg.gather [hbm4b:s9+s3], $0x80, v5, vm0, $0xb8;
	[tilespmem:$0x19900] =	vst v63  }
0x138: {  	v5 =	vld [tilespmem:s26+$0xFFFFFFC0];
	_ =	sdelay $0x4  }
0x139: {  	v6 =	vshrl.u32 v5, $0x3  }
0x13a: {  	v6 =	vmul.u32 $0x30, v6  }
0x13b: {  	v5 =	vand.u32 $0x7, v5  }
0x13c: {  	v5 =	vor.u32 v5, v6  }
0x13d: {  	v6 =	vperm.xlane v5, v2;
	_ =	sdelay $0x1  }
0x13e: {  	v6 =	vadd.s32 v3, v6;
	_ =	sdelay $0x3  }
0x13f: {  	s6 =	simm.s32 $0xA900;
	v5 =	vperm.xlane v5, v4  }
0x140: {  	[tilespmem:s6], [sflag:$0x2] =	stream.indirect_vreg.gather [hbm4b:s1+s3], $0x80, v6, vm0, $0xb8;
	[tilespmem:$0x19900] =	vst v63  }
0x141: {  	v5 =	vadd.s32 v3, v5;
	s6 =	simm.s32 $0xB100  }
0x142: {  	[tilespmem:s6], [sflag:$0x2] =	stream.indirect_vreg.gather [hbm4b:s7+s3], $0x80, v6, vm0, $0xb8;
	[tilespmem:$0x19900] =	vst v63  }
0x143: {  	s6 =	simm.s32 $0xB900  }
0x144: {  	[tilespmem:s6], [sflag:$0x2] =	stream.indirect_vreg.gather [hbm4b:s9+s3], $0x80, v6, vm0, $0xb8;
	[tilespmem:$0x19900] =	vst v63  }
0x145: {  	s6 =	simm.s32 $0xC100  }
0x146: {  	[tilespmem:s6], [sflag:$0x2] =	stream.indirect_vreg.gather [hbm4b:s1+s3], $0x80, v5, vm0, $0xb8;
	[tilespmem:$0x19900] =	vst v63  }
0x147: {  	s6 =	simm.s32 $0xC900  }
0x148: {  	[tilespmem:s6], [sflag:$0x2] =	stream.indirect_vreg.gather [hbm4b:s7+s3], $0x80, v5, vm0, $0xb8;
	[tilespmem:$0x19900] =	vst v63  }
0x149: {  	s6 =	simm.s32 $0xD100  }
0x14a: {  	[tilespmem:s6], [sflag:$0x2] =	stream.indirect_vreg.gather [hbm4b:s9+s3], $0x80, v5, vm0, $0xb8;
	[tilespmem:$0x19900] =	vst v63  }
0x14b: {  	_ =	swait.ge [sflag:s22], $0x6000  }
0x14c: {  	s28 =	rddreg [dreg:$0x8];
	[sflag:s22] =	ssyncset.done $0x0  }
0x14d: {  	[sflag:s22] =	ssyncadd.s32 $0xFFFFA000;
	s28 =	sadd.s32 s25, s28  }
0x14e: {  	[hbm4b:s28+s3] =	stream.linear.scatter [tilespmem:s0], [sflag:$0x8], $0x6000, $0x38;
	[tilespmem:$0x19900] =	vst v63  }
0x14f: {  	_ =	swait.ge [sflag:s23], $0x6000  }
0x150: {  	[sflag:s23] =	ssyncset.done $0x0  }
0x151: {  	[sflag:s23] =	ssyncadd.s32 $0xFFFFA000  }
0x152: {  	v5 =	vld [tilespmem:s26+$0xFFFFFFD0];
	_ =	sdelay $0x4  }
0x153: {  	v6 =	vshrl.u32 v5, $0x3  }
0x154: {  	v6 =	vmul.u32 $0x30, v6  }
0x155: {  	v5 =	vand.u32 $0x7, v5  }
0x156: {  	v5 =	vor.u32 v5, v6  }
0x157: {  	v6 =	vperm.xlane v5, v2;
	_ =	sdelay $0x1  }
0x158: {  	v6 =	vadd.s32 v3, v6;
	_ =	sdelay $0x3  }
0x159: {  	v5 =	vperm.xlane v5, v4  }
0x15a: {  	[tilespmem:s12], [sflag:$0x3] =	stream.indirect_vreg.gather [hbm4b:s1+s3], $0x80, v6, vm0, $0xb8;
	[tilespmem:$0x19900] =	vst v63  }
0x15b: {  	s6 =	simm.s32 $0xE100;
	v5 =	vadd.s32 v3, v5  }
0x15c: {  	[tilespmem:s6], [sflag:$0x3] =	stream.indirect_vreg.gather [hbm4b:s7+s3], $0x80, v6, vm0, $0xb8;
	[tilespmem:$0x19900] =	vst v63  }
0x15d: {  	s6 =	simm.s32 $0xE900  }
0x15e: {  	[tilespmem:s6], [sflag:$0x3] =	stream.indirect_vreg.gather [hbm4b:s9+s3], $0x80, v6, vm0, $0xb8;
	[tilespmem:$0x19900] =	vst v63  }
0x15f: {  	s6 =	simm.s32 $0xF100  }
0x160: {  	[tilespmem:s6], [sflag:$0x3] =	stream.indirect_vreg.gather [hbm4b:s1+s3], $0x80, v5, vm0, $0xb8;
	[tilespmem:$0x19900] =	vst v63  }
0x161: {  	s6 =	simm.s32 $0xF900  }
0x162: {  	[tilespmem:s6], [sflag:$0x3] =	stream.indirect_vreg.gather [hbm4b:s7+s3], $0x80, v5, vm0, $0xb8;
	[tilespmem:$0x19900] =	vst v63  }
0x163: {  	s6 =	simm.s32 $0x10100  }
0x164: {  	[tilespmem:s6], [sflag:$0x3] =	stream.indirect_vreg.gather [hbm4b:s9+s3], $0x80, v5, vm0, $0xb8;
	[tilespmem:$0x19900] =	vst v63  }
0x165: {  	v5 =	vld [tilespmem:s26+$0xFFFFFFE0];
	_ =	sdelay $0x4  }
0x166: {  	v6 =	vshrl.u32 v5, $0x3  }
0x167: {  	v6 =	vmul.u32 $0x30, v6  }
0x168: {  	v5 =	vand.u32 $0x7, v5  }
0x169: {  	v5 =	vor.u32 v5, v6  }
0x16a: {  	v6 =	vperm.xlane v5, v2;
	_ =	sdelay $0x1  }
0x16b: {  	v6 =	vadd.s32 v3, v6;
	_ =	sdelay $0x3  }
0x16c: {  	s6 =	simm.s32 $0x10900;
	v5 =	vperm.xlane v5, v4  }
0x16d: {  	[tilespmem:s6], [sflag:$0x3] =	stream.indirect_vreg.gather [hbm4b:s1+s3], $0x80, v6, vm0, $0xb8;
	[tilespmem:$0x19900] =	vst v63  }
0x16e: {  	v5 =	vadd.s32 v3, v5;
	s6 =	simm.s32 $0x11100  }
0x16f: {  	[tilespmem:s6], [sflag:$0x3] =	stream.indirect_vreg.gather [hbm4b:s7+s3], $0x80, v6, vm0, $0xb8;
	[tilespmem:$0x19900] =	vst v63  }
0x170: {  	s6 =	simm.s32 $0x11900  }
0x171: {  	[tilespmem:s6], [sflag:$0x3] =	stream.indirect_vreg.gather [hbm4b:s9+s3], $0x80, v6, vm0, $0xb8;
	[tilespmem:$0x19900] =	vst v63  }
0x172: {  	s6 =	simm.s32 $0x12100  }
0x173: {  	[tilespmem:s6], [sflag:$0x3] =	stream.indirect_vreg.gather [hbm4b:s1+s3], $0x80, v5, vm0, $0xb8;
	[tilespmem:$0x19900] =	vst v63  }
0x174: {  	s6 =	simm.s32 $0x12900  }
0x175: {  	[tilespmem:s6], [sflag:$0x3] =	stream.indirect_vreg.gather [hbm4b:s7+s3], $0x80, v5, vm0, $0xb8;
	[tilespmem:$0x19900] =	vst v63  }
0x176: {  	s6 =	simm.s32 $0x13100  }
0x177: {  	[tilespmem:s6], [sflag:$0x3] =	stream.indirect_vreg.gather [hbm4b:s9+s3], $0x80, v5, vm0, $0xb8;
	[tilespmem:$0x19900] =	vst v63  }
0x178: {  	_ =	swait.ge [sflag:s4], $0x6000  }
0x179: {  	s28 =	rddreg [dreg:$0x5];
	[sflag:s4] =	ssyncset.done $0x0  }
0x17a: {  	[sflag:s4] =	ssyncadd.s32 $0xFFFFA000;
	s28 =	sadd.s32 s25, s28  }
0x17b: {  	[hbm4b:s28+s3] =	stream.linear.scatter [tilespmem:s10], [sflag:$0x5], $0x6000, $0x38;
	[tilespmem:$0x19900] =	vst v63  }
0x17c: {  	_ =	swait.ge [sflag:s24], $0x6000  }
0x17d: {  	[sflag:s24] =	ssyncset.done $0x0  }
0x17e: {  	[sflag:s24] =	ssyncadd.s32 $0xFFFFA000  }
0x17f: {  	v5 =	vld [tilespmem:s26+$0xFFFFFFF0];
	_ =	sdelay $0x4  }
0x180: {  	v6 =	vshrl.u32 v5, $0x3  }
0x181: {  	v6 =	vmul.u32 $0x30, v6  }
0x182: {  	v5 =	vand.u32 $0x7, v5  }
0x183: {  	v5 =	vor.u32 v5, v6  }
0x184: {  	v6 =	vperm.xlane v5, v2;
	_ =	sdelay $0x1  }
0x185: {  	v6 =	vadd.s32 v3, v6;
	_ =	sdelay $0x3  }
0x186: {  	v5 =	vperm.xlane v5, v4  }
0x187: {  	[tilespmem:s0], [sflag:$0x4] =	stream.indirect_vreg.gather [hbm4b:s1+s3], $0x80, v6, vm0, $0xb8;
	[tilespmem:$0x19900] =	vst v63  }
0x188: {  	v5 =	vadd.s32 v3, v5  }
0x189: {  	[tilespmem:s18], [sflag:$0x4] =	stream.indirect_vreg.gather [hbm4b:s7+s3], $0x80, v6, vm0, $0xb8;
	[tilespmem:$0x19900] =	vst v63  }
0x18a: {  	_ = 	snop  }
0x18b: {  	[tilespmem:s31], [sflag:$0x4] =	stream.indirect_vreg.gather [hbm4b:s9+s3], $0x80, v6, vm0, $0xb8;
	[tilespmem:$0x19900] =	vst v63  }
0x18c: {  	_ = 	snop  }
0x18d: {  	[tilespmem:s11], [sflag:$0x4] =	stream.indirect_vreg.gather [hbm4b:s1+s3], $0x80, v5, vm0, $0xb8;
	[tilespmem:$0x19900] =	vst v63  }
0x18e: {  	_ = 	snop  }
0x18f: {  	[tilespmem:s13], [sflag:$0x4] =	stream.indirect_vreg.gather [hbm4b:s7+s3], $0x80, v5, vm0, $0xb8;
	[tilespmem:$0x19900] =	vst v63  }
0x190: {  	_ = 	snop  }
0x191: {  	[tilespmem:s29], [sflag:$0x4] =	stream.indirect_vreg.gather [hbm4b:s9+s3], $0x80, v5, vm0, $0xb8;
	[tilespmem:$0x19900] =	vst v63  }
0x192: {  	v5 =	vld [tilespmem:s26+$0x0];
	_ =	sdelay $0x4  }
0x193: {  	v6 =	vshrl.u32 v5, $0x3  }
0x194: {  	v6 =	vmul.u32 $0x30, v6  }
0x195: {  	v5 =	vand.u32 $0x7, v5  }
0x196: {  	v5 =	vor.u32 v5, v6  }
0x197: {  	v6 =	vperm.xlane v5, v2;
	_ =	sdelay $0x1  }
0x198: {  	v6 =	vadd.s32 v3, v6;
	_ =	sdelay $0x3  }
0x199: {  	v5 =	vperm.xlane v5, v4  }
0x19a: {  	[tilespmem:s2], [sflag:$0x4] =	stream.indirect_vreg.gather [hbm4b:s1+s3], $0x80, v6, vm0, $0xb8;
	[tilespmem:$0x19900] =	vst v63  }
0x19b: {  	v5 =	vadd.s32 v3, v5  }
0x19c: {  	[tilespmem:s30], [sflag:$0x4] =	stream.indirect_vreg.gather [hbm4b:s7+s3], $0x80, v6, vm0, $0xb8;
	[tilespmem:$0x19900] =	vst v63  }
0x19d: {  	_ = 	snop  }
0x19e: {  	[tilespmem:s14], [sflag:$0x4] =	stream.indirect_vreg.gather [hbm4b:s9+s3], $0x80, v6, vm0, $0xb8;
	[tilespmem:$0x19900] =	vst v63  }
0x19f: {  	_ = 	snop  }
0x1a0: {  	[tilespmem:s15], [sflag:$0x4] =	stream.indirect_vreg.gather [hbm4b:s1+s3], $0x80, v5, vm0, $0xb8;
	[tilespmem:$0x19900] =	vst v63  }
0x1a1: {  	_ = 	snop  }
0x1a2: {  	[tilespmem:s17], [sflag:$0x4] =	stream.indirect_vreg.gather [hbm4b:s7+s3], $0x80, v5, vm0, $0xb8;
	[tilespmem:$0x19900] =	vst v63  }
0x1a3: {  	p0 =	sne.s32 s25, $0x5A000  }
0x1a4: {  	[tilespmem:s5], [sflag:$0x4] =	stream.indirect_vreg.gather [hbm4b:s9+s3], $0x80, v5, vm0, $0xb8;
	[tilespmem:$0x19900] =	vst v63  }
.Ltmp2:
0x1a5: {  	_ =	swait.ge [sflag:s16], $0x6000;
	(pc) =	sbr.rel @p0 .LBB2_6-.Ltmp2, $4  }
0x1a6: {  	s28 =	rddreg [dreg:$0x6];
	[sflag:s16] =	ssyncset.done $0x0  }
0x1a7: {  	[sflag:s16] =	ssyncadd.s32 $0xFFFFA000;
	s28 =	sadd.s32 s25, s28  }
0x1a8: {  	[hbm4b:s28+s3] =	stream.linear.scatter [tilespmem:s8], [sflag:$0x6], $0x6000, $0x38;
	[tilespmem:$0x19900] =	vst v63  }
0x1a9: {  	s26 =	sadd.s32 $0x80, s26;
	s25 =	sadd.s32 $0x3000, s25;
	s28 =	simm.s32 $0x2900  }
0x1aa: {  	_ =	swait.ge [sflag:s20], $0x6000  }
0x1ab: {  	[sflag:s20] =	ssyncset.done $0x0  }
0x1ac: {  	s25 =	rddreg [dreg:$0xd];
	[sflag:s20] =	ssyncadd.s32 $0xFFFFA000  }
0x1ad: {  	[hbm4b:s25+s3] =	stream.linear.scatter [tilespmem:s12], [sflag:$0x7], $0x6000, $0x38;
	[tilespmem:$0x19900] =	vst v63  }
0x1ae: {  	_ =	swait.ge [sflag:s22], $0x6000  }
0x1af: {  	[sflag:s22] =	ssyncset.done $0x0  }
0x1b0: {  	s28 =	rddreg [dreg:$0xe];
	[sflag:s22] =	ssyncadd.s32 $0xFFFFA000  }
0x1b1: {  	[hbm4b:s28+s3] =	stream.linear.scatter [tilespmem:s0], [sflag:$0x8], $0x6000, $0x38;
	[tilespmem:$0x19900] =	vst v63  }
0x1b2: {  	_ =	swait.ge [sflag:s19], $0x6000  }
0x1b3: {  	[sflag:s19] =	ssyncset.done $0x0  }
0x1b4: {  	[sflag:s19] =	ssyncadd.s32 $0xFFFFA000  }
0x1b5: {  	_ =	swait.ge [sflag:s21], $0x6000  }
0x1b6: {  	[sflag:s21] =	ssyncset.done $0x0  }
0x1b7: {  	[sflag:s21] =	ssyncadd.s32 $0xFFFFA000  }
0x1b8: {  	_ =	swait.ge [sflag:s23], $0x6000  }
0x1b9: {  	[sflag:s23] =	ssyncset.done $0x0  }
0x1ba: {  	[sflag:s23] =	ssyncadd.s32 $0xFFFFA000  }
0x1bb: {  	_ =	swait.ge [sflag:s24], $0x6000  }
0x1bc: {  	s5 =	rddreg [dreg:$0x10]  }
0x1bd: {  	s29 =	rddreg [dreg:$0xf];
	s5 =	sadd.s32 $0x1, s5  }
0x1be: {  	p0 =	sne.s32 s5, s29  }
.Ltmp3:
0x1bf: {  	_ = 	snop;
	(pc) =	sbr.rel @p0 .LBB2_1-.Ltmp3, $3  }
0x1c0: {  	_ =	sdelay $0x1  }
0x1c1: {  	s18 =	simm.s32 $0x1900;
	s2 =	simm.s32 $0xD900;
	[sflag:s24] =	ssyncset.done $0x0  }
0x1c2: {  	s10 =	simm.s32 $0x13900;
	s0 =	simm.s32 $0x7900;
	[sflag:s24] =	ssyncadd.s32 $0xFFFFA000  }
0x1c3: {  	_ =	sfence.sel $0x180000  }
0x1c4: {  	[bflag:$0x0] =	sbarrier.arrive $0xFFFF  }
0x1c5: {  	_ =	strace $0x90000047  }
0x1c6: {  	s0 =	stileid.u32;
	[bflag:$0x2] =	sbarrier.arrive $0xFFFF  }
0x1c7: {  	p0 =	sne.s32 s0, $0x0;
	s0 =	rddreg [dreg:$0x4]  }
0x1c8: {  	s0 =	sadd.s32 @!p0 $0x100000, s0  }
0x1c9: {  	[sflag:s0] =	ssyncadd.tile.s32 @!p0 $0x1;
	_ =	shalt  }
.Lfunc_end2:
_tile_overlayer_lowered:
.L_overlay_start_2:
0x1ca: {  	(tag) =	ssettag $0x2  }
0x1cb: {  	s0 =	rddreg [dreg:$0x0];
	s2 =	stileid.u32  }
0x1cc: {  	s1 =	rddreg [dreg:$0x1];
	p0 =	sne.s32 s2, $0x0  }
0x1cd: {  	s3 =	rddreg [dreg:$0x2];
	[bflag:$0x3] =	sbarrier.arrive $0xFFFF;
	s2 =	simm.s32 @!p0 $0x1C09  }
0x1ce: {  	[timem:s3], [sflag:s2] =	dma.local @!p0 [hbm:s0], s1  }
0x1cf: {  	s0 =	simm.s32 @!p0 $0x9  }
0x1d0: {  	_ =	swait.ge @!p0 [sflag:s0], s1  }
0x1d1: {  	s1 =	ssub.s32 @!p0 $0x0, s1;
	[sflag:s0] =	ssyncset.done @!p0 $0x0  }
0x1d2: {  	[sflag:s0] =	ssyncadd.s32 @!p0 s1  }
0x1d3: {  	[bflag:$0x3] =	sbarrier.arrive $0xFFFF  }
0x1d4: {  	_ =	shalt  }

</sc_bundles>
